<compile_context>
chip_gen: v7x
topology: tpu7x:2x2x1
jax: 0.10.2.dev20260603
libtpu: 0.0.44.dev20260713+nightly
codegen_flags: <defaults>
</compile_context>

<pallas_src>
import functools

import jax
import jax.numpy as jnp
from jax import lax
from jax.experimental import pallas as pl
from jax.experimental.pallas import tpu as pltpu
from jax.experimental.pallas import tpu_sc as plsc

B = 32
L = 50
NE = 34
NA = 36
D = 128
H = 256
NG = NA - 1 + NE - 1
_F32 = jnp.float32


def _sc_gather(table, idx):
    info = plsc.get_sparse_core_info()
    nw = info.num_cores * info.num_subcores
    n = idx.shape[0]
    per = n // nw

    mesh = plsc.VectorSubcoreMesh(core_axis_name="c", subcore_axis_name="s")

    @functools.partial(
        pl.kernel,
        mesh=mesh,
        out_type=jax.ShapeDtypeStruct((n, D), _F32),
        scratch_types=[
            pltpu.VMEM((per,), jnp.int32),
            pltpu.VMEM((per, D), _F32),
            pltpu.SemaphoreType.DMA,
        ],
    )
    def gather_kernel(table_hbm, idx_hbm, out_hbm, idx_v, rows_v, sem):
        wid = lax.axis_index("s") * info.num_cores + lax.axis_index("c")
        base = wid * per
        pltpu.sync_copy(idx_hbm.at[pl.ds(base, per)], idx_v)
        pltpu.async_copy(table_hbm.at[idx_v], rows_v, sem).wait()
        pltpu.sync_copy(rows_v, out_hbm.at[pl.ds(base, per)])

    return gather_kernel(table, idx)


def _fused_body(emb_ref, wifb_ref, whf_ref, bf_ref, whb_ref, bb_ref,
                wpf_ref, wpb_ref,
                weg_ref, bev_ref, wg_ref, ba_ref,
                ev_out_ref, ar_out_ref,
                xf_ref, xb_ref, hf_ref, hb_ref,
                e1_ref, a2f_ref, a2b_ref, a1b_ref, gtrg_ref, gcat_ref):
    i = pl.program_id(0)

    @pl.when(i == 0)
    def _pre():
        emb = emb_ref[...].reshape(L * B, D)
        xfb = jnp.dot(emb, wifb_ref[...], preferred_element_type=_F32)
        xf_ref[...] = xfb[:, 0:4 * H].reshape(L, B, 4 * H)
        xb_ref[...] = xfb[:, 4 * H:8 * H].reshape(L, B, 4 * H)
        whf = whf_ref[...]
        whb = whb_ref[...]
        bf = bf_ref[...]
        bb = bb_ref[...]
        zero = jnp.zeros((B, H), _F32)

        def cell(gates, c):
            ig = jax.nn.sigmoid(gates[:, 0:H])
            f = jax.nn.sigmoid(gates[:, H:2 * H])
            g = jnp.tanh(gates[:, 2 * H:3 * H])
            o = jax.nn.sigmoid(gates[:, 3 * H:4 * H])
            c = f * c + ig * g
            return o * jnp.tanh(c), c

        def step(k, carry):
            hfv, cf, hbv, cb = carry
            tb = L - 1 - k
            gf = (xf_ref[k]
                  + jnp.dot(hfv, whf, preferred_element_type=_F32)) + bf
            gb = (xb_ref[tb]
                  + jnp.dot(hbv, whb, preferred_element_type=_F32)) + bb
            hfv, cf = cell(gf, cf)
            hbv, cb = cell(gb, cb)
            hf_ref[k] = hfv
            hb_ref[tb] = hbv
            return (hfv, cf, hbv, cb)

        lax.fori_loop(0, L, step, (zero, zero, zero, zero))

        hf = hf_ref[...].reshape(L * B, H)
        hb = hb_ref[...].reshape(L * B, H)
        pf = jnp.dot(hf, wpf_ref[...], preferred_element_type=_F32)
        pb = jnp.dot(hb, wpb_ref[...], preferred_element_type=_F32)
        e1_ref[...] = (pf[:, 0:NE] + pb[:, 0:NE]).reshape(L, B, NE)
        a2f_ref[...] = pf[:, NE:NE + NA].reshape(L, B, NA)
        a2b_ref[...] = pb[:, NE:NE + NA].reshape(L, B, NA)
        a1 = (pf[:, NE + NA:NE + 2 * NA]
              + pb[:, NE + NA:NE + 2 * NA]).reshape(L, B, NA)
        for b in range(B):
            a1b_ref[pl.ds(b * L, L), :] = a1[:, b, :]
        gtrg_ref[...] = jnp.zeros((B, NE - 1), _F32)
        gcat_ref[...] = jnp.zeros((B * L, NG), _F32)

    @pl.when(i > 0)
    def _step():
        t = i - 1
        g_trg = gtrg_ref[...]
        g_cat = gcat_ref[...]

        ev = (e1_ref[t]
              + jnp.dot(g_trg, weg_ref[...], preferred_element_type=_F32)
              ) + bev_ref[...]
        ev_out_ref[:, 0, 0, :] = ev
        iota_ne = lax.broadcasted_iota(jnp.int32, (B, NE), 1)
        ev_pred = jnp.min(
            jnp.where(ev == jnp.max(ev, axis=1, keepdims=True), iota_ne, NE),
            axis=1, keepdims=True)

        def bc(x):
            return jnp.broadcast_to(
                x[:, None, :], (B, L, NA)).reshape(B * L, NA)

        ar = (((a1b_ref[...] + bc(a2f_ref[t])) + bc(a2b_ref[t]))
              + jnp.dot(g_cat, wg_ref[...], preferred_element_type=_F32)
              ) + ba_ref[...]
        ar_out_ref[:, 0, :, :] = ar.reshape(B, L, NA)
        iota_na = lax.broadcasted_iota(jnp.int32, (B * L, NA), 1)
        a_pred = jnp.min(
            jnp.where(ar == jnp.max(ar, axis=1, keepdims=True), iota_na, NA),
            axis=1, keepdims=True)

        ev_mask = ev_pred > 0
        e_idx = jnp.maximum(ev_pred - 1, 0)
        arg_mask = a_pred > 0
        a_idx = jnp.maximum(a_pred - 1, 0)
        evm_f = jnp.broadcast_to(
            ev_mask[:, None, :], (B, L, 1)).reshape(B * L, 1)
        eix_f = jnp.broadcast_to(
            e_idx[:, None, :], (B, L, 1)).reshape(B * L, 1)
        iota_e = lax.broadcasted_iota(jnp.int32, (B, NE - 1), 1)
        iota_g = lax.broadcasted_iota(jnp.int32, (B * L, NG), 1)
        gtrg_ref[...] = jnp.maximum(
            g_trg, jnp.where((iota_e == e_idx) & ev_mask, 1.0, 0.0))
        gcat_ref[...] = jnp.maximum(
            g_cat,
            jnp.where(((iota_g == a_idx) | (iota_g == eix_f + (NA - 1)))
                      & arg_mask & evm_f, 1.0, 0.0))


def _run_fused(emb, wifb, whf_t, bf, whb_t, bb,
               wpf, wpb, w_event, b_event, w_arg, b_arg):
    weg = w_event[:, 2 * H:2 * H + NE - 1].T
    wg = w_arg[:, 4 * H:4 * H + NG].T
    def whole(x):
        nd = len(x.shape)
        return pl.BlockSpec(x.shape, lambda i, _n=nd: (0,) * _n)

    shift = lambda i: (0, jnp.maximum(i - 1, 0), 0, 0)
    ins = [emb, wifb, whf_t, bf, whb_t, bb, wpf, wpb,
           weg, b_event.reshape(1, NE), wg, b_arg.reshape(1, NA)]
    return pl.pallas_call(
        _fused_body,
        grid=(L + 1,),
        in_specs=[whole(x) for x in ins],
        out_specs=[
            pl.BlockSpec((B, 1, 1, NE), shift),
            pl.BlockSpec((B, 1, L, NA), shift),
        ],
        out_shape=[
            jax.ShapeDtypeStruct((B, L, 1, NE), _F32),
            jax.ShapeDtypeStruct((B, L, L, NA), _F32),
        ],
        scratch_shapes=[
            pltpu.VMEM((L, B, 4 * H), _F32),
            pltpu.VMEM((L, B, 4 * H), _F32),
            pltpu.VMEM((L, B, H), _F32),
            pltpu.VMEM((L, B, H), _F32),
            pltpu.VMEM((L, B, NE), _F32),
            pltpu.VMEM((L, B, NA), _F32),
            pltpu.VMEM((L, B, NA), _F32),
            pltpu.VMEM((B * L, NA), _F32),
            pltpu.VMEM((B, NE - 1), _F32),
            pltpu.VMEM((B * L, NG), _F32),
        ],
    )(*ins)


def kernel(input_ids, embedding, W_ih_f, W_hh_f, b_f, W_ih_b, W_hh_b, b_b,
           W_event, b_event, W_arg, b_arg):
    idx = input_ids.astype(jnp.int32).T.reshape(L * B)
    n_pad = 64 * 32
    idx_pad = jnp.concatenate(
        [idx, jnp.zeros((n_pad - L * B,), jnp.int32)])
    rows = _sc_gather(embedding.astype(_F32), idx_pad)
    emb = rows[:L * B].reshape(L, B, D)

    wifb = jnp.concatenate([W_ih_f.T, W_ih_b.T], axis=1)
    wpf = jnp.concatenate(
        [W_event[:, 0:H].T, W_arg[:, 2 * H:3 * H].T, W_arg[:, 0:H].T], axis=1)
    wpb = jnp.concatenate(
        [W_event[:, H:2 * H].T, W_arg[:, 3 * H:4 * H].T,
         W_arg[:, H:2 * H].T], axis=1)
    ev, ar = _run_fused(
        emb, wifb, W_hh_f.T, b_f.reshape(1, 4 * H),
        W_hh_b.T, b_b.reshape(1, 4 * H),
        wpf, wpb, W_event, b_event, W_arg, b_arg)
    return ev.reshape(B, L, NE), ar

# --- scband reference (transcript-rebuilt; emitter-appended) ---
"""Pipeline reference for scband-joint-sentence-bi-lstm12-81114752352625 (READ-ONLY COPY).

The authoritative reference and input builder live on the scoring server;
editing this copy changes nothing except your own understanding.
"""

import jax, jax.numpy as jnp
import numpy as np

B = 32
L = 50
NE = 34
NA = 36
V = 100000
D = 128
H = 256

def setup_inputs(seed: int = 0):
    key = jax.random.key(seed)
    ks = jax.random.split(key, 16)
    s = 0.05
    return {
        'input_ids': jax.random.randint(ks[0], (B, L), 0, V),
        'embedding': jax.random.normal(ks[1], (V, D), dtype=jnp.float32) * s,
        'W_ih_f': jax.random.normal(ks[2], (4 * H, D), dtype=jnp.float32) * s,
        'W_hh_f': jax.random.normal(ks[3], (4 * H, H), dtype=jnp.float32) * s,
        'b_f': jax.random.normal(ks[4], (4 * H,), dtype=jnp.float32) * s,
        'W_ih_b': jax.random.normal(ks[5], (4 * H, D), dtype=jnp.float32) * s,
        'W_hh_b': jax.random.normal(ks[6], (4 * H, H), dtype=jnp.float32) * s,
        'b_b': jax.random.normal(ks[7], (4 * H,), dtype=jnp.float32) * s,
        'W_event': jax.random.normal(ks[8], (NE, 2 * H + NE - 1), dtype=jnp.float32) * s,
        'b_event': jax.random.normal(ks[9], (NE,), dtype=jnp.float32) * s,
        'W_arg': jax.random.normal(ks[10], (NA, 4 * H + NA - 1 + NE - 1), dtype=jnp.float32) * s,
        'b_arg': jax.random.normal(ks[11], (NA,), dtype=jnp.float32) * s,
    }

def _lstm_dir(x, W_ih, W_hh, b):
    Bb = x.shape[0]
    Hh = W_hh.shape[1]
    def step(carry, xt):
        h, c = carry
        gates = xt @ W_ih.T + h @ W_hh.T + b
        i, f, g, o = jnp.split(gates, 4, axis=-1)
        i = jax.nn.sigmoid(i)
        f = jax.nn.sigmoid(f)
        g = jnp.tanh(g)
        o = jax.nn.sigmoid(o)
        c = f * c + i * g
        h = o * jnp.tanh(c)
        return (h, c), h
    init = (jnp.zeros((Bb, Hh), x.dtype), jnp.zeros((Bb, Hh), x.dtype))
    _, hs = jax.lax.scan(step, init, jnp.swapaxes(x, 0, 1))
    return jnp.swapaxes(hs, 0, 1)

def _forward(input_ids, embedding, W_ih_f, W_hh_f, b_f, W_ih_b, W_hh_b, b_b, W_event, b_event, W_arg, b_arg):
    emb = jnp.take(embedding, input_ids, axis=0)
    h_fwd = _lstm_dir(emb, W_ih_f, W_hh_f, b_f)
    h_bwd = _lstm_dir(emb[:, ::-1], W_ih_b, W_hh_b, b_b)[:, ::-1]
    hidden = jnp.concatenate([h_fwd, h_bwd], axis=-1)
    g_trg = jnp.zeros((B, NE - 1), jnp.int32)
    g_trg_arg = jnp.zeros((B, L, NE - 1), jnp.int32)
    g_arg = jnp.zeros((B, L, NA - 1), jnp.int32)
    bidx = jnp.arange(B)
    jidx = jnp.arange(L)
    ev_list = []
    ar_list = []
    for i in range(L):
        trig = hidden[:, i]
        ev_in = jnp.concatenate([trig, g_trg.astype(jnp.float32)], axis=1)
        ev_logit = ev_in @ W_event.T + b_event
        ev_list.append(ev_logit)
        ev_pred = jnp.argmax(ev_logit, axis=-1)
        trig_rep = jnp.broadcast_to(trig[:, None, :], (B, L, trig.shape[-1]))
        arg_in = jnp.concatenate([hidden, trig_rep, g_arg.astype(jnp.float32), g_trg_arg.astype(jnp.float32)], axis=2)
        arg_logits = arg_in @ W_arg.T + b_arg
        ar_list.append(arg_logits)
        arg_preds = jnp.argmax(arg_logits, axis=-1)
        ev_mask = ev_pred > 0
        e_idx = jnp.maximum(ev_pred - 1, 0)
        g_trg = jnp.where(ev_mask[:, None], g_trg.at[bidx, e_idx].set(1), g_trg)
        arg_mask = arg_preds > 0
        cur_col = g_trg_arg[bidx[:, None], jidx[None, :], e_idx[:, None]]
        new_col = jnp.where(arg_mask, 1, cur_col)
        g_trg_arg = jnp.where(ev_mask[:, None, None], g_trg_arg.at[bidx[:, None], jidx[None, :], e_idx[:, None]].set(new_col), g_trg_arg)
        a_idx = jnp.maximum(arg_preds - 1, 0)
        cur_a = g_arg[bidx[:, None], jidx[None, :], a_idx]
        new_a = jnp.where(arg_mask & ev_mask[:, None], 1, cur_a)
        g_arg = g_arg.at[bidx[:, None], jidx[None, :], a_idx].set(new_a)
    event_logits = jnp.stack(ev_list, axis=1)
    arguments_logits = jnp.stack(ar_list, axis=1)
    return event_logits, arguments_logits

def reference(input_ids, embedding, W_ih_f, W_hh_f, b_f, W_ih_b, W_hh_b, b_b, W_event, b_event, W_arg, b_arg):
    return _forward(input_ids, embedding, W_ih_f, W_hh_f, b_f, W_ih_b, W_hh_b, b_b, W_event, b_event, W_arg, b_arg)

if __name__ == "__main__":
    import jax
    _d = setup_inputs()
    print(jax.jit(kernel)(*tuple(_d.values())))

</pallas_src>

<mosaic_0001>
#map = affine_map<(d0, d1) -> (0, 0)>
#map1 = affine_map<(d0, d1) -> (0)>
module attributes {stable_mosaic.version = 14 : i64} {
  func.func @gather_kernel(%arg0: i32, %arg1: i32, %arg2: memref<100000x128xf32, #tpu.memory_space<hbm>>, %arg3: memref<2048xi32, #tpu.memory_space<hbm>>, %arg4: memref<2048x128xf32, #tpu.memory_space<hbm>>, %arg5: memref<64xi32, #tpu.memory_space<vmem>>, %arg6: memref<64x128xf32, #tpu.memory_space<vmem>>, %arg7: memref<!tpu.dma_semaphore, #tpu.memory_space<semaphore_mem>>) attributes {dimension_semantics = [#tpu.dimension_semantics<core_parallel>, #tpu.dimension_semantics<subcore_parallel>], iteration_bounds = array<i64: 2, 16>, scalar_prefetch = 0 : i64, scratch_operands = 3 : i64, tpu.core_type = #tpu.core_type<sc_vector_subcore>, window_params = [{transform_indices = #map}, {transform_indices = #map1}, {transform_indices = #map}]} {
    %mul3A = arith.constant 2 : i32
    %mul3A_0 = arith.muli %arg1, %mul3A : i32
    %add3A = arith.addi %mul3A_0, %arg0 : i32
    %mul3A_1 = arith.constant 64 : i32
    %mul3A_2 = arith.muli %add3A, %mul3A_1 : i32
    "tpu.region"() ({
      %run_scoped3A = tpu.sem_alloc : memref<!tpu.dma_semaphore, #tpu.memory_space<semaphore_mem>>
      %dma_start3A_7 = tpu.memref_slice %arg3[%mul3A_2] : memref<2048xi32, #tpu.memory_space<hbm>> -> memref<64xi32, #tpu.memory_space<hbm>>
      %dma_start3A_8 = tpu.memref_slice %arg3[%mul3A_2] : memref<2048xi32, #tpu.memory_space<hbm>> -> memref<64xi32, #tpu.memory_space<hbm>>
      tpu.enqueue_dma source(%dma_start3A_8 : memref<64xi32, #tpu.memory_space<hbm>>) target(%arg5 : memref<64xi32, #tpu.memory_space<vmem>>) target_semaphore(%run_scoped3A : memref<!tpu.dma_semaphore, #tpu.memory_space<semaphore_mem>>)
      %dma_wait3A_9 = tpu.memref_slice %arg3[%mul3A_2] : memref<2048xi32, #tpu.memory_space<hbm>> -> memref<64xi32, #tpu.memory_space<hbm>>
      %dma_wait3A_10 = tpu.memref_slice %arg3[%mul3A_2] : memref<2048xi32, #tpu.memory_space<hbm>> -> memref<64xi32, #tpu.memory_space<hbm>>
      tpu.wait_dma2 semaphore(%run_scoped3A : memref<!tpu.dma_semaphore, #tpu.memory_space<semaphore_mem>>) src(%dma_wait3A_10 : memref<64xi32, #tpu.memory_space<hbm>>) dst(%arg5 : memref<64xi32, #tpu.memory_space<vmem>>)
      tpu.yield
    }) : () -> ()
    %dma_start3A = arith.constant 0 : i32
    %dma_start3A_3 = arith.constant 0 : i32
    %dma_start3A_4 = tpu.memref_slice %arg2[%dma_start3A, %dma_start3A_3] : memref<100000x128xf32, #tpu.memory_space<hbm>> -> memref<100000x128xf32, #tpu.memory_space<hbm>>
    tpu.enqueue_indirect_dma source(%dma_start3A_4 : memref<100000x128xf32, #tpu.memory_space<hbm>>) target(%arg6 : memref<64x128xf32, #tpu.memory_space<vmem>>) offsets(%arg5 : memref<64xi32, #tpu.memory_space<vmem>>) semaphore(%arg7 : memref<!tpu.dma_semaphore, #tpu.memory_space<semaphore_mem>>)
    %dma_wait3A = arith.constant 0 : i32
    %dma_wait3A_5 = arith.constant 0 : i32
    %dma_wait3A_6 = tpu.memref_slice %arg2[%dma_wait3A, %dma_wait3A_5] : memref<100000x128xf32, #tpu.memory_space<hbm>> -> memref<100000x128xf32, #tpu.memory_space<hbm>>
    tpu.wait_indirect_dma semaphore(%arg7 : memref<!tpu.dma_semaphore, #tpu.memory_space<semaphore_mem>>) src(%dma_wait3A_6 : memref<100000x128xf32, #tpu.memory_space<hbm>>) dst(%arg6 : memref<64x128xf32, #tpu.memory_space<vmem>>)
    "tpu.region"() ({
      %run_scoped3A = tpu.sem_alloc : memref<!tpu.dma_semaphore, #tpu.memory_space<semaphore_mem>>
      %dma_start3A_7 = arith.constant 0 : i32
      %dma_start3A_8 = tpu.memref_slice %arg4[%mul3A_2, %dma_start3A_7] : memref<2048x128xf32, #tpu.memory_space<hbm>> -> memref<64x128xf32, #tpu.memory_space<hbm>>
      %dma_start3A_9 = arith.constant 0 : i32
      %dma_start3A_10 = tpu.memref_slice %arg4[%mul3A_2, %dma_start3A_9] : memref<2048x128xf32, #tpu.memory_space<hbm>> -> memref<64x128xf32, #tpu.memory_space<hbm>>
      tpu.enqueue_dma source(%arg6 : memref<64x128xf32, #tpu.memory_space<vmem>>) target(%dma_start3A_10 : memref<64x128xf32, #tpu.memory_space<hbm>>) target_semaphore(%run_scoped3A : memref<!tpu.dma_semaphore, #tpu.memory_space<semaphore_mem>>)
      %dma_wait3A_11 = arith.constant 0 : i32
      %dma_wait3A_12 = tpu.memref_slice %arg4[%mul3A_2, %dma_wait3A_11] : memref<2048x128xf32, #tpu.memory_space<hbm>> -> memref<64x128xf32, #tpu.memory_space<hbm>>
      %dma_wait3A_13 = arith.constant 0 : i32
      %dma_wait3A_14 = tpu.memref_slice %arg4[%mul3A_2, %dma_wait3A_13] : memref<2048x128xf32, #tpu.memory_space<hbm>> -> memref<64x128xf32, #tpu.memory_space<hbm>>
      tpu.wait_dma2 semaphore(%run_scoped3A : memref<!tpu.dma_semaphore, #tpu.memory_space<semaphore_mem>>) src(%arg6 : memref<64x128xf32, #tpu.memory_space<vmem>>) dst(%dma_wait3A_14 : memref<64x128xf32, #tpu.memory_space<hbm>>)
      tpu.yield
    }) : () -> ()
    return
  }
}

module attributes {stable_mosaic.version = 14 : i64} {
  func.func @_fused_body(%arg0: i32, %arg1: memref<50x32x128xf32, #tpu.memory_space<vmem>>, %arg2: memref<128x2048xf32, #tpu.memory_space<vmem>>, %arg3: memref<256x1024xf32, #tpu.memory_space<vmem>>, %arg4: memref<1x1024xf32, #tpu.memory_space<vmem>>, %arg5: memref<256x1024xf32, #tpu.memory_space<vmem>>, %arg6: memref<1x1024xf32, #tpu.memory_space<vmem>>, %arg7: memref<256x106xf32, #tpu.memory_space<vmem>>, %arg8: memref<256x106xf32, #tpu.memory_space<vmem>>, %arg9: memref<33x34xf32, #tpu.memory_space<vmem>>, %arg10: memref<1x34xf32, #tpu.memory_space<vmem>>, %arg11: memref<68x36xf32, #tpu.memory_space<vmem>>, %arg12: memref<1x36xf32, #tpu.memory_space<vmem>>, %arg13: memref<32x1x1x34xf32, #tpu.memory_space<vmem>>, %arg14: memref<32x1x50x36xf32, #tpu.memory_space<vmem>>, %arg15: memref<50x32x1024xf32, #tpu.memory_space<vmem>>, %arg16: memref<50x32x1024xf32, #tpu.memory_space<vmem>>, %arg17: memref<50x32x256xf32, #tpu.memory_space<vmem>>, %arg18: memref<50x32x256xf32, #tpu.memory_space<vmem>>, %arg19: memref<50x32x34xf32, #tpu.memory_space<vmem>>, %arg20: memref<50x32x36xf32, #tpu.memory_space<vmem>>, %arg21: memref<50x32x36xf32, #tpu.memory_space<vmem>>, %arg22: memref<1600x36xf32, #tpu.memory_space<vmem>>, %arg23: memref<32x33xf32, #tpu.memory_space<vmem>>, %arg24: memref<1600x68xf32, #tpu.memory_space<vmem>>) attributes {dimension_semantics = [#tpu.dimension_semantics<arbitrary>], iteration_bounds = array<i64: 51>, scalar_prefetch = 0 : i64, scratch_operands = 10 : i64, tpu.core_type = #tpu.core_type<tc>, window_params = [{pipeline_mode = #tpu.pipeline_mode<synchronous>, transform_indices = @transform_0, window_bounds = array<i64: 50, 32, 128>}, {pipeline_mode = #tpu.pipeline_mode<synchronous>, transform_indices = @transform_1, window_bounds = array<i64: 128, 2048>}, {pipeline_mode = #tpu.pipeline_mode<synchronous>, transform_indices = @transform_2, window_bounds = array<i64: 256, 1024>}, {pipeline_mode = #tpu.pipeline_mode<synchronous>, transform_indices = @transform_3, window_bounds = array<i64: 1, 1024>}, {pipeline_mode = #tpu.pipeline_mode<synchronous>, transform_indices = @transform_4, window_bounds = array<i64: 256, 1024>}, {pipeline_mode = #tpu.pipeline_mode<synchronous>, transform_indices = @transform_5, window_bounds = array<i64: 1, 1024>}, {pipeline_mode = #tpu.pipeline_mode<synchronous>, transform_indices = @transform_6, window_bounds = array<i64: 256, 106>}, {pipeline_mode = #tpu.pipeline_mode<synchronous>, transform_indices = @transform_7, window_bounds = array<i64: 256, 106>}, {pipeline_mode = #tpu.pipeline_mode<synchronous>, transform_indices = @transform_8, window_bounds = array<i64: 33, 34>}, {pipeline_mode = #tpu.pipeline_mode<synchronous>, transform_indices = @transform_9, window_bounds = array<i64: 1, 34>}, {pipeline_mode = #tpu.pipeline_mode<synchronous>, transform_indices = @transform_10, window_bounds = array<i64: 68, 36>}, {pipeline_mode = #tpu.pipeline_mode<synchronous>, transform_indices = @transform_11, window_bounds = array<i64: 1, 36>}, {transform_indices = @transform_12, window_bounds = array<i64: 32, 1, 1, 34>}, {transform_indices = @transform_13, window_bounds = array<i64: 32, 1, 50, 36>}]} {
    %eq3A = arith.constant 0 : i32
    %eq3A_0 = arith.cmpi eq, %arg0, %eq3A : i32
    %convert_element_type3A = arith.extui %eq3A_0 : i1 to i32
    %cond3A = arith.constant 0 : i32
    %cond3A_1 = arith.cmpi ne, %convert_element_type3A, %cond3A : i32
    scf.if %cond3A_1 {
      %get3A = arith.constant 0 : index
      %get3A_6 = arith.constant 0 : index
      %get3A_7 = arith.constant 0 : index
      %get3A_8 = vector.load %arg1[%get3A, %get3A_6, %get3A_7] : memref<50x32x128xf32, #tpu.memory_space<vmem>>, vector<50x32x128xf32>
      %reshape3A = vector.shape_cast %get3A_8 : vector<50x32x128xf32> to vector<1600x128xf32>
      %get3A_9 = arith.constant 0 : index
      %get3A_10 = arith.constant 0 : index
      %get3A_11 = vector.load %arg2[%get3A_9, %get3A_10] : memref<128x2048xf32, #tpu.memory_space<vmem>>, vector<128x2048xf32>
      %dot_general3A = arith.constant dense<0.000000e+00> : vector<1600x2048xf32>
      %dot_general3A_12 = tpu.matmul %reshape3A, %get3A_11, %dot_general3A {dimension_numbers = #tpu.dot_dimension_numbers<[1], [0], [0], [1], [0, 0, 1, 1], [], []>, transpose_lhs_hint = false} : vector<1600x128xf32>, vector<128x2048xf32>, vector<1600x2048xf32> -> vector<1600x2048xf32>
      %slice3A = vector.extract_strided_slice %dot_general3A_12 {offsets = [0, 0], sizes = [1600, 1024], strides = [1, 1]} : vector<1600x2048xf32> to vector<1600x1024xf32>
      %reshape3A_13 = vector.shape_cast %slice3A : vector<1600x1024xf32> to vector<50x32x1024xf32>
      %swap3A = arith.constant 0 : index
      %swap3A_14 = arith.constant 0 : index
      %swap3A_15 = arith.constant 0 : index
      %swap3A_16 = vector.load %arg15[%swap3A, %swap3A_14, %swap3A_15] : memref<50x32x1024xf32, #tpu.memory_space<vmem>>, vector<50x32x1024xf32>
      tpu.vector_store %arg15[%swap3A, %swap3A_14, %swap3A_15], %reshape3A_13 {strides = array<i32>} : memref<50x32x1024xf32, #tpu.memory_space<vmem>>, vector<50x32x1024xf32>,
      %slice3A_17 = vector.extract_strided_slice %dot_general3A_12 {offsets = [0, 1024], sizes = [1600, 1024], strides = [1, 1]} : vector<1600x2048xf32> to vector<1600x1024xf32>
      %reshape3A_18 = vector.shape_cast %slice3A_17 : vector<1600x1024xf32> to vector<50x32x1024xf32>
      %swap3A_19 = arith.constant 0 : index
      %swap3A_20 = arith.constant 0 : index
      %swap3A_21 = arith.constant 0 : index
      %swap3A_22 = vector.load %arg16[%swap3A_19, %swap3A_20, %swap3A_21] : memref<50x32x1024xf32, #tpu.memory_space<vmem>>, vector<50x32x1024xf32>
      tpu.vector_store %arg16[%swap3A_19, %swap3A_20, %swap3A_21], %reshape3A_18 {strides = array<i32>} : memref<50x32x1024xf32, #tpu.memory_space<vmem>>, vector<50x32x1024xf32>,
      %get3A_23 = arith.constant 0 : index
      %get3A_24 = arith.constant 0 : index
      %get3A_25 = vector.load %arg3[%get3A_23, %get3A_24] : memref<256x1024xf32, #tpu.memory_space<vmem>>, vector<256x1024xf32>
      %get3A_26 = arith.constant 0 : index
      %get3A_27 = arith.constant 0 : index
      %get3A_28 = vector.load %arg5[%get3A_26, %get3A_27] : memref<256x1024xf32, #tpu.memory_space<vmem>>, vector<256x1024xf32>
      %get3A_29 = arith.constant 0 : index
      %get3A_30 = arith.constant 0 : index
      %get3A_31 = vector.load %arg4[%get3A_29, %get3A_30] : memref<1x1024xf32, #tpu.memory_space<vmem>>, vector<1x1024xf32>
      %get3A_32 = arith.constant 0 : index
      %get3A_33 = arith.constant 0 : index
      %get3A_34 = vector.load %arg6[%get3A_32, %get3A_33] : memref<1x1024xf32, #tpu.memory_space<vmem>>, vector<1x1024xf32>
      %broadcast_in_dim3A = arith.constant 0.000000e+00 : f32
      %broadcast_in_dim3A_35 = vector.broadcast %broadcast_in_dim3A : f32 to vector<32x256xf32>
      %scan3A = arith.constant 0 : i32
      %scan3A_36 = arith.constant 50 : i32
      %scan3A_37 = arith.addi %scan3A, %scan3A_36 : i32
      %scan3A_38 = arith.constant 1 : i32
      %scan3A_39:4 = scf.for %scan3A_253 = %scan3A to %scan3A_37 step %scan3A_38 iter_args(%scan3A_254 = %broadcast_in_dim3A_35, %scan3A_255 = %broadcast_in_dim3A_35, %scan3A_256 = %broadcast_in_dim3A_35, %scan3A_257 = %broadcast_in_dim3A_35) -> (vector<32x256xf32>, vector<32x256xf32>, vector<32x256xf32>, vector<32x256xf32>)  : i32 {
        %sub3A = arith.constant 49 : i32
        %sub3A_258 = arith.subi %sub3A, %scan3A_253 : i32
        %get3A_259 = arith.index_cast %scan3A_253 : i32 to index
        %get3A_260 = arith.constant 0 : index
        %get3A_261 = arith.constant 0 : index
        %get3A_262 = vector.load %arg15[%get3A_259, %get3A_260, %get3A_261] : memref<50x32x1024xf32, #tpu.memory_space<vmem>>, vector<1x32x1024xf32>
        %get3A_263 = vector.shape_cast %get3A_262 : vector<1x32x1024xf32> to vector<32x1024xf32>
        %dot_general3A_264 = arith.constant dense<0.000000e+00> : vector<32x1024xf32>
        %dot_general3A_265 = tpu.matmul %scan3A_254, %get3A_25, %dot_general3A_264 {dimension_numbers = #tpu.dot_dimension_numbers<[1], [0], [0], [1], [0, 0, 1, 1], [], []>, transpose_lhs_hint = false} : vector<32x256xf32>, vector<256x1024xf32>, vector<32x1024xf32> -> vector<32x1024xf32>
        %add3A_266 = arith.addf %get3A_263, %dot_general3A_265 : vector<32x1024xf32>
        %add3A_267 = vector.broadcast %get3A_31 : vector<1x1024xf32> to vector<32x1024xf32>
        %add3A_268 = arith.addf %add3A_266, %add3A_267 : vector<32x1024xf32>
        %get3A_269 = arith.index_cast %sub3A_258 : i32 to index
        %get3A_270 = arith.constant 0 : index
        %get3A_271 = arith.constant 0 : index
        %get3A_272 = vector.load %arg16[%get3A_269, %get3A_270, %get3A_271] : memref<50x32x1024xf32, #tpu.memory_space<vmem>>, vector<1x32x1024xf32>
        %get3A_273 = vector.shape_cast %get3A_272 : vector<1x32x1024xf32> to vector<32x1024xf32>
        %dot_general3A_274 = arith.constant dense<0.000000e+00> : vector<32x1024xf32>
        %dot_general3A_275 = tpu.matmul %scan3A_256, %get3A_28, %dot_general3A_274 {dimension_numbers = #tpu.dot_dimension_numbers<[1], [0], [0], [1], [0, 0, 1, 1], [], []>, transpose_lhs_hint = false} : vector<32x256xf32>, vector<256x1024xf32>, vector<32x1024xf32> -> vector<32x1024xf32>
        %add3A_276 = arith.addf %get3A_273, %dot_general3A_275 : vector<32x1024xf32>
        %add3A_277 = vector.broadcast %get3A_34 : vector<1x1024xf32> to vector<32x1024xf32>
        %add3A_278 = arith.addf %add3A_276, %add3A_277 : vector<32x1024xf32>
        %slice3A_279 = vector.extract_strided_slice %add3A_268 {offsets = [0, 0], sizes = [32, 256], strides = [1, 1]} : vector<32x1024xf32> to vector<32x256xf32>
        %logistic3A = arith.negf %slice3A_279 : vector<32x256xf32>
        %logistic3A_280 = math.exp %logistic3A : vector<32x256xf32>
        %logistic3A_281 = arith.constant 1.000000e+00 : f32
        %logistic3A_282 = vector.broadcast %logistic3A_281 : f32 to vector<32x256xf32>
        %logistic3A_283 = arith.addf %logistic3A_282, %logistic3A_280 : vector<32x256xf32>
        %logistic3A_284 = arith.divf %logistic3A_282, %logistic3A_283 : vector<32x256xf32>
        %slice3A_285 = vector.extract_strided_slice %add3A_268 {offsets = [0, 256], sizes = [32, 256], strides = [1, 1]} : vector<32x1024xf32> to vector<32x256xf32>
        %logistic3A_286 = arith.negf %slice3A_285 : vector<32x256xf32>
        %logistic3A_287 = math.exp %logistic3A_286 : vector<32x256xf32>
        %logistic3A_288 = arith.constant 1.000000e+00 : f32
        %logistic3A_289 = vector.broadcast %logistic3A_288 : f32 to vector<32x256xf32>
        %logistic3A_290 = arith.addf %logistic3A_289, %logistic3A_287 : vector<32x256xf32>
        %logistic3A_291 = arith.divf %logistic3A_289, %logistic3A_290 : vector<32x256xf32>
        %slice3A_292 = vector.extract_strided_slice %add3A_268 {offsets = [0, 512], sizes = [32, 256], strides = [1, 1]} : vector<32x1024xf32> to vector<32x256xf32>
        %tanh3A = math.tanh %slice3A_292 : vector<32x256xf32>
        %slice3A_293 = vector.extract_strided_slice %add3A_268 {offsets = [0, 768], sizes = [32, 256], strides = [1, 1]} : vector<32x1024xf32> to vector<32x256xf32>
        %logistic3A_294 = arith.negf %slice3A_293 : vector<32x256xf32>
        %logistic3A_295 = math.exp %logistic3A_294 : vector<32x256xf32>
        %logistic3A_296 = arith.constant 1.000000e+00 : f32
        %logistic3A_297 = vector.broadcast %logistic3A_296 : f32 to vector<32x256xf32>
        %logistic3A_298 = arith.addf %logistic3A_297, %logistic3A_295 : vector<32x256xf32>
        %logistic3A_299 = arith.divf %logistic3A_297, %logistic3A_298 : vector<32x256xf32>
        %mul3A = arith.mulf %logistic3A_291, %scan3A_255 : vector<32x256xf32>
        %mul3A_300 = arith.mulf %logistic3A_284, %tanh3A : vector<32x256xf32>
        %add3A_301 = arith.addf %mul3A, %mul3A_300 : vector<32x256xf32>
        %tanh3A_302 = math.tanh %add3A_301 : vector<32x256xf32>
        %mul3A_303 = arith.mulf %logistic3A_299, %tanh3A_302 : vector<32x256xf32>
        %slice3A_304 = vector.extract_strided_slice %add3A_278 {offsets = [0, 0], sizes = [32, 256], strides = [1, 1]} : vector<32x1024xf32> to vector<32x256xf32>
        %logistic3A_305 = arith.negf %slice3A_304 : vector<32x256xf32>
        %logistic3A_306 = math.exp %logistic3A_305 : vector<32x256xf32>
        %logistic3A_307 = arith.constant 1.000000e+00 : f32
        %logistic3A_308 = vector.broadcast %logistic3A_307 : f32 to vector<32x256xf32>
        %logistic3A_309 = arith.addf %logistic3A_308, %logistic3A_306 : vector<32x256xf32>
        %logistic3A_310 = arith.divf %logistic3A_308, %logistic3A_309 : vector<32x256xf32>
        %slice3A_311 = vector.extract_strided_slice %add3A_278 {offsets = [0, 256], sizes = [32, 256], strides = [1, 1]} : vector<32x1024xf32> to vector<32x256xf32>
        %logistic3A_312 = arith.negf %slice3A_311 : vector<32x256xf32>
        %logistic3A_313 = math.exp %logistic3A_312 : vector<32x256xf32>
        %logistic3A_314 = arith.constant 1.000000e+00 : f32
        %logistic3A_315 = vector.broadcast %logistic3A_314 : f32 to vector<32x256xf32>
        %logistic3A_316 = arith.addf %logistic3A_315, %logistic3A_313 : vector<32x256xf32>
        %logistic3A_317 = arith.divf %logistic3A_315, %logistic3A_316 : vector<32x256xf32>
        %slice3A_318 = vector.extract_strided_slice %add3A_278 {offsets = [0, 512], sizes = [32, 256], strides = [1, 1]} : vector<32x1024xf32> to vector<32x256xf32>
        %tanh3A_319 = math.tanh %slice3A_318 : vector<32x256xf32>
        %slice3A_320 = vector.extract_strided_slice %add3A_278 {offsets = [0, 768], sizes = [32, 256], strides = [1, 1]} : vector<32x1024xf32> to vector<32x256xf32>
        %logistic3A_321 = arith.negf %slice3A_320 : vector<32x256xf32>
        %logistic3A_322 = math.exp %logistic3A_321 : vector<32x256xf32>
        %logistic3A_323 = arith.constant 1.000000e+00 : f32
        %logistic3A_324 = vector.broadcast %logistic3A_323 : f32 to vector<32x256xf32>
        %logistic3A_325 = arith.addf %logistic3A_324, %logistic3A_322 : vector<32x256xf32>
        %logistic3A_326 = arith.divf %logistic3A_324, %logistic3A_325 : vector<32x256xf32>
        %mul3A_327 = arith.mulf %logistic3A_317, %scan3A_257 : vector<32x256xf32>
        %mul3A_328 = arith.mulf %logistic3A_310, %tanh3A_319 : vector<32x256xf32>
        %add3A_329 = arith.addf %mul3A_327, %mul3A_328 : vector<32x256xf32>
        %tanh3A_330 = math.tanh %add3A_329 : vector<32x256xf32>
        %mul3A_331 = arith.mulf %logistic3A_326, %tanh3A_330 : vector<32x256xf32>
        %swap3A_332 = arith.index_cast %scan3A_253 : i32 to index
        %swap3A_333 = arith.constant 0 : index
        %swap3A_334 = arith.constant 0 : index
        %swap3A_335 = vector.load %arg17[%swap3A_332, %swap3A_333, %swap3A_334] : memref<50x32x256xf32, #tpu.memory_space<vmem>>, vector<1x32x256xf32>
        %swap3A_336 = vector.shape_cast %swap3A_335 : vector<1x32x256xf32> to vector<32x256xf32>
        %swap3A_337 = vector.shape_cast %mul3A_303 : vector<32x256xf32> to vector<1x32x256xf32>
        tpu.vector_store %arg17[%swap3A_332, %swap3A_333, %swap3A_334], %swap3A_337 {strides = array<i32>} : memref<50x32x256xf32, #tpu.memory_space<vmem>>, vector<1x32x256xf32>,
        %swap3A_338 = arith.index_cast %sub3A_258 : i32 to index
        %swap3A_339 = arith.constant 0 : index
        %swap3A_340 = arith.constant 0 : index
        %swap3A_341 = vector.load %arg18[%swap3A_338, %swap3A_339, %swap3A_340] : memref<50x32x256xf32, #tpu.memory_space<vmem>>, vector<1x32x256xf32>
        %swap3A_342 = vector.shape_cast %swap3A_341 : vector<1x32x256xf32> to vector<32x256xf32>
        %swap3A_343 = vector.shape_cast %mul3A_331 : vector<32x256xf32> to vector<1x32x256xf32>
        tpu.vector_store %arg18[%swap3A_338, %swap3A_339, %swap3A_340], %swap3A_343 {strides = array<i32>} : memref<50x32x256xf32, #tpu.memory_space<vmem>>, vector<1x32x256xf32>,
        scf.yield %mul3A_303, %add3A_301, %mul3A_331, %add3A_329 : vector<32x256xf32>, vector<32x256xf32>, vector<32x256xf32>, vector<32x256xf32>
      }
      %scan3A_40 = arith.constant 50 : i32
      %get3A_41 = arith.constant 0 : index
      %get3A_42 = arith.constant 0 : index
      %get3A_43 = arith.constant 0 : index
      %get3A_44 = vector.load %arg17[%get3A_41, %get3A_42, %get3A_43] : memref<50x32x256xf32, #tpu.memory_space<vmem>>, vector<50x32x256xf32>
      %reshape3A_45 = vector.shape_cast %get3A_44 : vector<50x32x256xf32> to vector<1600x256xf32>
      %get3A_46 = arith.constant 0 : index
      %get3A_47 = arith.constant 0 : index
      %get3A_48 = arith.constant 0 : index
      %get3A_49 = vector.load %arg18[%get3A_46, %get3A_47, %get3A_48] : memref<50x32x256xf32, #tpu.memory_space<vmem>>, vector<50x32x256xf32>
      %reshape3A_50 = vector.shape_cast %get3A_49 : vector<50x32x256xf32> to vector<1600x256xf32>
      %get3A_51 = arith.constant 0 : index
      %get3A_52 = arith.constant 0 : index
      %get3A_53 = vector.load %arg7[%get3A_51, %get3A_52] : memref<256x106xf32, #tpu.memory_space<vmem>>, vector<256x106xf32>
      %dot_general3A_54 = arith.constant dense<0.000000e+00> : vector<1600x106xf32>
      %dot_general3A_55 = tpu.matmul %reshape3A_45, %get3A_53, %dot_general3A_54 {dimension_numbers = #tpu.dot_dimension_numbers<[1], [0], [0], [1], [0, 0, 1, 1], [], []>, transpose_lhs_hint = false} : vector<1600x256xf32>, vector<256x106xf32>, vector<1600x106xf32> -> vector<1600x106xf32>
      %get3A_56 = arith.constant 0 : index
      %get3A_57 = arith.constant 0 : index
      %get3A_58 = vector.load %arg8[%get3A_56, %get3A_57] : memref<256x106xf32, #tpu.memory_space<vmem>>, vector<256x106xf32>
      %dot_general3A_59 = arith.constant dense<0.000000e+00> : vector<1600x106xf32>
      %dot_general3A_60 = tpu.matmul %reshape3A_50, %get3A_58, %dot_general3A_59 {dimension_numbers = #tpu.dot_dimension_numbers<[1], [0], [0], [1], [0, 0, 1, 1], [], []>, transpose_lhs_hint = false} : vector<1600x256xf32>, vector<256x106xf32>, vector<1600x106xf32> -> vector<1600x106xf32>
      %slice3A_61 = vector.extract_strided_slice %dot_general3A_55 {offsets = [0, 0], sizes = [1600, 34], strides = [1, 1]} : vector<1600x106xf32> to vector<1600x34xf32>
      %slice3A_62 = vector.extract_strided_slice %dot_general3A_60 {offsets = [0, 0], sizes = [1600, 34], strides = [1, 1]} : vector<1600x106xf32> to vector<1600x34xf32>
      %add3A = arith.addf %slice3A_61, %slice3A_62 : vector<1600x34xf32>
      %reshape3A_63 = vector.shape_cast %add3A : vector<1600x34xf32> to vector<50x32x34xf32>
      %swap3A_64 = arith.constant 0 : index
      %swap3A_65 = arith.constant 0 : index
      %swap3A_66 = arith.constant 0 : index
      %swap3A_67 = vector.load %arg19[%swap3A_64, %swap3A_65, %swap3A_66] : memref<50x32x34xf32, #tpu.memory_space<vmem>>, vector<50x32x34xf32>
      tpu.vector_store %arg19[%swap3A_64, %swap3A_65, %swap3A_66], %reshape3A_63 {strides = array<i32>} : memref<50x32x34xf32, #tpu.memory_space<vmem>>, vector<50x32x34xf32>,
      %slice3A_68 = vector.extract_strided_slice %dot_general3A_55 {offsets = [0, 34], sizes = [1600, 36], strides = [1, 1]} : vector<1600x106xf32> to vector<1600x36xf32>
      %reshape3A_69 = vector.shape_cast %slice3A_68 : vector<1600x36xf32> to vector<50x32x36xf32>
      %swap3A_70 = arith.constant 0 : index
      %swap3A_71 = arith.constant 0 : index
      %swap3A_72 = arith.constant 0 : index
      %swap3A_73 = vector.load %arg20[%swap3A_70, %swap3A_71, %swap3A_72] : memref<50x32x36xf32, #tpu.memory_space<vmem>>, vector<50x32x36xf32>
      tpu.vector_store %arg20[%swap3A_70, %swap3A_71, %swap3A_72], %reshape3A_69 {strides = array<i32>} : memref<50x32x36xf32, #tpu.memory_space<vmem>>, vector<50x32x36xf32>,
      %slice3A_74 = vector.extract_strided_slice %dot_general3A_60 {offsets = [0, 34], sizes = [1600, 36], strides = [1, 1]} : vector<1600x106xf32> to vector<1600x36xf32>
      %reshape3A_75 = vector.shape_cast %slice3A_74 : vector<1600x36xf32> to vector<50x32x36xf32>
      %swap3A_76 = arith.constant 0 : index
      %swap3A_77 = arith.constant 0 : index
      %swap3A_78 = arith.constant 0 : index
      %swap3A_79 = vector.load %arg21[%swap3A_76, %swap3A_77, %swap3A_78] : memref<50x32x36xf32, #tpu.memory_space<vmem>>, vector<50x32x36xf32>
      tpu.vector_store %arg21[%swap3A_76, %swap3A_77, %swap3A_78], %reshape3A_75 {strides = array<i32>} : memref<50x32x36xf32, #tpu.memory_space<vmem>>, vector<50x32x36xf32>,
      %slice3A_80 = vector.extract_strided_slice %dot_general3A_55 {offsets = [0, 70], sizes = [1600, 36], strides = [1, 1]} : vector<1600x106xf32> to vector<1600x36xf32>
      %slice3A_81 = vector.extract_strided_slice %dot_general3A_60 {offsets = [0, 70], sizes = [1600, 36], strides = [1, 1]} : vector<1600x106xf32> to vector<1600x36xf32>
      %add3A_82 = arith.addf %slice3A_80, %slice3A_81 : vector<1600x36xf32>
      %reshape3A_83 = vector.shape_cast %add3A_82 : vector<1600x36xf32> to vector<50x32x36xf32>
      %slice3A_84 = vector.extract_strided_slice %reshape3A_83 {offsets = [0, 0, 0], sizes = [50, 1, 36], strides = [1, 1, 1]} : vector<50x32x36xf32> to vector<50x1x36xf32>
      %squeeze3A = vector.shape_cast %slice3A_84 : vector<50x1x36xf32> to vector<50x36xf32>
      %swap3A_85 = arith.constant 0 : index
      %swap3A_86 = arith.constant 0 : index
      %swap3A_87 = vector.load %arg22[%swap3A_85, %swap3A_86] : memref<1600x36xf32, #tpu.memory_space<vmem>>, vector<50x36xf32>
      tpu.vector_store %arg22[%swap3A_85, %swap3A_86], %squeeze3A {strides = array<i32>} : memref<1600x36xf32, #tpu.memory_space<vmem>>, vector<50x36xf32>,
      %slice3A_88 = vector.extract_strided_slice %reshape3A_83 {offsets = [0, 1, 0], sizes = [50, 1, 36], strides = [1, 1, 1]} : vector<50x32x36xf32> to vector<50x1x36xf32>
      %squeeze3A_89 = vector.shape_cast %slice3A_88 : vector<50x1x36xf32> to vector<50x36xf32>
      %swap3A_90 = arith.constant 50 : index
      %swap3A_91 = arith.constant 0 : index
      %swap3A_92 = vector.load %arg22[%swap3A_90, %swap3A_91] : memref<1600x36xf32, #tpu.memory_space<vmem>>, vector<50x36xf32>
      tpu.vector_store %arg22[%swap3A_90, %swap3A_91], %squeeze3A_89 {strides = array<i32>} : memref<1600x36xf32, #tpu.memory_space<vmem>>, vector<50x36xf32>,
      %slice3A_93 = vector.extract_strided_slice %reshape3A_83 {offsets = [0, 2, 0], sizes = [50, 1, 36], strides = [1, 1, 1]} : vector<50x32x36xf32> to vector<50x1x36xf32>
      %squeeze3A_94 = vector.shape_cast %slice3A_93 : vector<50x1x36xf32> to vector<50x36xf32>
      %swap3A_95 = arith.constant 100 : index
      %swap3A_96 = arith.constant 0 : index
      %swap3A_97 = vector.load %arg22[%swap3A_95, %swap3A_96] : memref<1600x36xf32, #tpu.memory_space<vmem>>, vector<50x36xf32>
      tpu.vector_store %arg22[%swap3A_95, %swap3A_96], %squeeze3A_94 {strides = array<i32>} : memref<1600x36xf32, #tpu.memory_space<vmem>>, vector<50x36xf32>,
      %slice3A_98 = vector.extract_strided_slice %reshape3A_83 {offsets = [0, 3, 0], sizes = [50, 1, 36], strides = [1, 1, 1]} : vector<50x32x36xf32> to vector<50x1x36xf32>
      %squeeze3A_99 = vector.shape_cast %slice3A_98 : vector<50x1x36xf32> to vector<50x36xf32>
      %swap3A_100 = arith.constant 150 : index
      %swap3A_101 = arith.constant 0 : index
      %swap3A_102 = vector.load %arg22[%swap3A_100, %swap3A_101] : memref<1600x36xf32, #tpu.memory_space<vmem>>, vector<50x36xf32>
      tpu.vector_store %arg22[%swap3A_100, %swap3A_101], %squeeze3A_99 {strides = array<i32>} : memref<1600x36xf32, #tpu.memory_space<vmem>>, vector<50x36xf32>,
      %slice3A_103 = vector.extract_strided_slice %reshape3A_83 {offsets = [0, 4, 0], sizes = [50, 1, 36], strides = [1, 1, 1]} : vector<50x32x36xf32> to vector<50x1x36xf32>
      %squeeze3A_104 = vector.shape_cast %slice3A_103 : vector<50x1x36xf32> to vector<50x36xf32>
      %swap3A_105 = arith.constant 200 : index
      %swap3A_106 = arith.constant 0 : index
      %swap3A_107 = vector.load %arg22[%swap3A_105, %swap3A_106] : memref<1600x36xf32, #tpu.memory_space<vmem>>, vector<50x36xf32>
      tpu.vector_store %arg22[%swap3A_105, %swap3A_106], %squeeze3A_104 {strides = array<i32>} : memref<1600x36xf32, #tpu.memory_space<vmem>>, vector<50x36xf32>,
      %slice3A_108 = vector.extract_strided_slice %reshape3A_83 {offsets = [0, 5, 0], sizes = [50, 1, 36], strides = [1, 1, 1]} : vector<50x32x36xf32> to vector<50x1x36xf32>
      %squeeze3A_109 = vector.shape_cast %slice3A_108 : vector<50x1x36xf32> to vector<50x36xf32>
      %swap3A_110 = arith.constant 250 : index
      %swap3A_111 = arith.constant 0 : index
      %swap3A_112 = vector.load %arg22[%swap3A_110, %swap3A_111] : memref<1600x36xf32, #tpu.memory_space<vmem>>, vector<50x36xf32>
      tpu.vector_store %arg22[%swap3A_110, %swap3A_111], %squeeze3A_109 {strides = array<i32>} : memref<1600x36xf32, #tpu.memory_space<vmem>>, vector<50x36xf32>,
      %slice3A_113 = vector.extract_strided_slice %reshape3A_83 {offsets = [0, 6, 0], sizes = [50, 1, 36], strides = [1, 1, 1]} : vector<50x32x36xf32> to vector<50x1x36xf32>
      %squeeze3A_114 = vector.shape_cast %slice3A_113 : vector<50x1x36xf32> to vector<50x36xf32>
      %swap3A_115 = arith.constant 300 : index
      %swap3A_116 = arith.constant 0 : index
      %swap3A_117 = vector.load %arg22[%swap3A_115, %swap3A_116] : memref<1600x36xf32, #tpu.memory_space<vmem>>, vector<50x36xf32>
      tpu.vector_store %arg22[%swap3A_115, %swap3A_116], %squeeze3A_114 {strides = array<i32>} : memref<1600x36xf32, #tpu.memory_space<vmem>>, vector<50x36xf32>,
      %slice3A_118 = vector.extract_strided_slice %reshape3A_83 {offsets = [0, 7, 0], sizes = [50, 1, 36], strides = [1, 1, 1]} : vector<50x32x36xf32> to vector<50x1x36xf32>
      %squeeze3A_119 = vector.shape_cast %slice3A_118 : vector<50x1x36xf32> to vector<50x36xf32>
      %swap3A_120 = arith.constant 350 : index
      %swap3A_121 = arith.constant 0 : index
      %swap3A_122 = vector.load %arg22[%swap3A_120, %swap3A_121] : memref<1600x36xf32, #tpu.memory_space<vmem>>, vector<50x36xf32>
      tpu.vector_store %arg22[%swap3A_120, %swap3A_121], %squeeze3A_119 {strides = array<i32>} : memref<1600x36xf32, #tpu.memory_space<vmem>>, vector<50x36xf32>,
      %slice3A_123 = vector.extract_strided_slice %reshape3A_83 {offsets = [0, 8, 0], sizes = [50, 1, 36], strides = [1, 1, 1]} : vector<50x32x36xf32> to vector<50x1x36xf32>
      %squeeze3A_124 = vector.shape_cast %slice3A_123 : vector<50x1x36xf32> to vector<50x36xf32>
      %swap3A_125 = arith.constant 400 : index
      %swap3A_126 = arith.constant 0 : index
      %swap3A_127 = vector.load %arg22[%swap3A_125, %swap3A_126] : memref<1600x36xf32, #tpu.memory_space<vmem>>, vector<50x36xf32>
      tpu.vector_store %arg22[%swap3A_125, %swap3A_126], %squeeze3A_124 {strides = array<i32>} : memref<1600x36xf32, #tpu.memory_space<vmem>>, vector<50x36xf32>,
      %slice3A_128 = vector.extract_strided_slice %reshape3A_83 {offsets = [0, 9, 0], sizes = [50, 1, 36], strides = [1, 1, 1]} : vector<50x32x36xf32> to vector<50x1x36xf32>
      %squeeze3A_129 = vector.shape_cast %slice3A_128 : vector<50x1x36xf32> to vector<50x36xf32>
      %swap3A_130 = arith.constant 450 : index
      %swap3A_131 = arith.constant 0 : index
      %swap3A_132 = vector.load %arg22[%swap3A_130, %swap3A_131] : memref<1600x36xf32, #tpu.memory_space<vmem>>, vector<50x36xf32>
      tpu.vector_store %arg22[%swap3A_130, %swap3A_131], %squeeze3A_129 {strides = array<i32>} : memref<1600x36xf32, #tpu.memory_space<vmem>>, vector<50x36xf32>,
      %slice3A_133 = vector.extract_strided_slice %reshape3A_83 {offsets = [0, 10, 0], sizes = [50, 1, 36], strides = [1, 1, 1]} : vector<50x32x36xf32> to vector<50x1x36xf32>
      %squeeze3A_134 = vector.shape_cast %slice3A_133 : vector<50x1x36xf32> to vector<50x36xf32>
      %swap3A_135 = arith.constant 500 : index
      %swap3A_136 = arith.constant 0 : index
      %swap3A_137 = vector.load %arg22[%swap3A_135, %swap3A_136] : memref<1600x36xf32, #tpu.memory_space<vmem>>, vector<50x36xf32>
      tpu.vector_store %arg22[%swap3A_135, %swap3A_136], %squeeze3A_134 {strides = array<i32>} : memref<1600x36xf32, #tpu.memory_space<vmem>>, vector<50x36xf32>,
      %slice3A_138 = vector.extract_strided_slice %reshape3A_83 {offsets = [0, 11, 0], sizes = [50, 1, 36], strides = [1, 1, 1]} : vector<50x32x36xf32> to vector<50x1x36xf32>
      %squeeze3A_139 = vector.shape_cast %slice3A_138 : vector<50x1x36xf32> to vector<50x36xf32>
      %swap3A_140 = arith.constant 550 : index
      %swap3A_141 = arith.constant 0 : index
      %swap3A_142 = vector.load %arg22[%swap3A_140, %swap3A_141] : memref<1600x36xf32, #tpu.memory_space<vmem>>, vector<50x36xf32>
      tpu.vector_store %arg22[%swap3A_140, %swap3A_141], %squeeze3A_139 {strides = array<i32>} : memref<1600x36xf32, #tpu.memory_space<vmem>>, vector<50x36xf32>,
      %slice3A_143 = vector.extract_strided_slice %reshape3A_83 {offsets = [0, 12, 0], sizes = [50, 1, 36], strides = [1, 1, 1]} : vector<50x32x36xf32> to vector<50x1x36xf32>
      %squeeze3A_144 = vector.shape_cast %slice3A_143 : vector<50x1x36xf32> to vector<50x36xf32>
      %swap3A_145 = arith.constant 600 : index
      %swap3A_146 = arith.constant 0 : index
      %swap3A_147 = vector.load %arg22[%swap3A_145, %swap3A_146] : memref<1600x36xf32, #tpu.memory_space<vmem>>, vector<50x36xf32>
      tpu.vector_store %arg22[%swap3A_145, %swap3A_146], %squeeze3A_144 {strides = array<i32>} : memref<1600x36xf32, #tpu.memory_space<vmem>>, vector<50x36xf32>,
      %slice3A_148 = vector.extract_strided_slice %reshape3A_83 {offsets = [0, 13, 0], sizes = [50, 1, 36], strides = [1, 1, 1]} : vector<50x32x36xf32> to vector<50x1x36xf32>
      %squeeze3A_149 = vector.shape_cast %slice3A_148 : vector<50x1x36xf32> to vector<50x36xf32>
      %swap3A_150 = arith.constant 650 : index
      %swap3A_151 = arith.constant 0 : index
      %swap3A_152 = vector.load %arg22[%swap3A_150, %swap3A_151] : memref<1600x36xf32, #tpu.memory_space<vmem>>, vector<50x36xf32>
      tpu.vector_store %arg22[%swap3A_150, %swap3A_151], %squeeze3A_149 {strides = array<i32>} : memref<1600x36xf32, #tpu.memory_space<vmem>>, vector<50x36xf32>,
      %slice3A_153 = vector.extract_strided_slice %reshape3A_83 {offsets = [0, 14, 0], sizes = [50, 1, 36], strides = [1, 1, 1]} : vector<50x32x36xf32> to vector<50x1x36xf32>
      %squeeze3A_154 = vector.shape_cast %slice3A_153 : vector<50x1x36xf32> to vector<50x36xf32>
      %swap3A_155 = arith.constant 700 : index
      %swap3A_156 = arith.constant 0 : index
      %swap3A_157 = vector.load %arg22[%swap3A_155, %swap3A_156] : memref<1600x36xf32, #tpu.memory_space<vmem>>, vector<50x36xf32>
      tpu.vector_store %arg22[%swap3A_155, %swap3A_156], %squeeze3A_154 {strides = array<i32>} : memref<1600x36xf32, #tpu.memory_space<vmem>>, vector<50x36xf32>,
      %slice3A_158 = vector.extract_strided_slice %reshape3A_83 {offsets = [0, 15, 0], sizes = [50, 1, 36], strides = [1, 1, 1]} : vector<50x32x36xf32> to vector<50x1x36xf32>
      %squeeze3A_159 = vector.shape_cast %slice3A_158 : vector<50x1x36xf32> to vector<50x36xf32>
      %swap3A_160 = arith.constant 750 : index
      %swap3A_161 = arith.constant 0 : index
      %swap3A_162 = vector.load %arg22[%swap3A_160, %swap3A_161] : memref<1600x36xf32, #tpu.memory_space<vmem>>, vector<50x36xf32>
      tpu.vector_store %arg22[%swap3A_160, %swap3A_161], %squeeze3A_159 {strides = array<i32>} : memref<1600x36xf32, #tpu.memory_space<vmem>>, vector<50x36xf32>,
      %slice3A_163 = vector.extract_strided_slice %reshape3A_83 {offsets = [0, 16, 0], sizes = [50, 1, 36], strides = [1, 1, 1]} : vector<50x32x36xf32> to vector<50x1x36xf32>
      %squeeze3A_164 = vector.shape_cast %slice3A_163 : vector<50x1x36xf32> to vector<50x36xf32>
      %swap3A_165 = arith.constant 800 : index
      %swap3A_166 = arith.constant 0 : index
      %swap3A_167 = vector.load %arg22[%swap3A_165, %swap3A_166] : memref<1600x36xf32, #tpu.memory_space<vmem>>, vector<50x36xf32>
      tpu.vector_store %arg22[%swap3A_165, %swap3A_166], %squeeze3A_164 {strides = array<i32>} : memref<1600x36xf32, #tpu.memory_space<vmem>>, vector<50x36xf32>,
      %slice3A_168 = vector.extract_strided_slice %reshape3A_83 {offsets = [0, 17, 0], sizes = [50, 1, 36], strides = [1, 1, 1]} : vector<50x32x36xf32> to vector<50x1x36xf32>
      %squeeze3A_169 = vector.shape_cast %slice3A_168 : vector<50x1x36xf32> to vector<50x36xf32>
      %swap3A_170 = arith.constant 850 : index
      %swap3A_171 = arith.constant 0 : index
      %swap3A_172 = vector.load %arg22[%swap3A_170, %swap3A_171] : memref<1600x36xf32, #tpu.memory_space<vmem>>, vector<50x36xf32>
      tpu.vector_store %arg22[%swap3A_170, %swap3A_171], %squeeze3A_169 {strides = array<i32>} : memref<1600x36xf32, #tpu.memory_space<vmem>>, vector<50x36xf32>,
      %slice3A_173 = vector.extract_strided_slice %reshape3A_83 {offsets = [0, 18, 0], sizes = [50, 1, 36], strides = [1, 1, 1]} : vector<50x32x36xf32> to vector<50x1x36xf32>
      %squeeze3A_174 = vector.shape_cast %slice3A_173 : vector<50x1x36xf32> to vector<50x36xf32>
      %swap3A_175 = arith.constant 900 : index
      %swap3A_176 = arith.constant 0 : index
      %swap3A_177 = vector.load %arg22[%swap3A_175, %swap3A_176] : memref<1600x36xf32, #tpu.memory_space<vmem>>, vector<50x36xf32>
      tpu.vector_store %arg22[%swap3A_175, %swap3A_176], %squeeze3A_174 {strides = array<i32>} : memref<1600x36xf32, #tpu.memory_space<vmem>>, vector<50x36xf32>,
      %slice3A_178 = vector.extract_strided_slice %reshape3A_83 {offsets = [0, 19, 0], sizes = [50, 1, 36], strides = [1, 1, 1]} : vector<50x32x36xf32> to vector<50x1x36xf32>
      %squeeze3A_179 = vector.shape_cast %slice3A_178 : vector<50x1x36xf32> to vector<50x36xf32>
      %swap3A_180 = arith.constant 950 : index
      %swap3A_181 = arith.constant 0 : index
      %swap3A_182 = vector.load %arg22[%swap3A_180, %swap3A_181] : memref<1600x36xf32, #tpu.memory_space<vmem>>, vector<50x36xf32>
      tpu.vector_store %arg22[%swap3A_180, %swap3A_181], %squeeze3A_179 {strides = array<i32>} : memref<1600x36xf32, #tpu.memory_space<vmem>>, vector<50x36xf32>,
      %slice3A_183 = vector.extract_strided_slice %reshape3A_83 {offsets = [0, 20, 0], sizes = [50, 1, 36], strides = [1, 1, 1]} : vector<50x32x36xf32> to vector<50x1x36xf32>
      %squeeze3A_184 = vector.shape_cast %slice3A_183 : vector<50x1x36xf32> to vector<50x36xf32>
      %swap3A_185 = arith.constant 1000 : index
      %swap3A_186 = arith.constant 0 : index
      %swap3A_187 = vector.load %arg22[%swap3A_185, %swap3A_186] : memref<1600x36xf32, #tpu.memory_space<vmem>>, vector<50x36xf32>
      tpu.vector_store %arg22[%swap3A_185, %swap3A_186], %squeeze3A_184 {strides = array<i32>} : memref<1600x36xf32, #tpu.memory_space<vmem>>, vector<50x36xf32>,
      %slice3A_188 = vector.extract_strided_slice %reshape3A_83 {offsets = [0, 21, 0], sizes = [50, 1, 36], strides = [1, 1, 1]} : vector<50x32x36xf32> to vector<50x1x36xf32>
      %squeeze3A_189 = vector.shape_cast %slice3A_188 : vector<50x1x36xf32> to vector<50x36xf32>
      %swap3A_190 = arith.constant 1050 : index
      %swap3A_191 = arith.constant 0 : index
      %swap3A_192 = vector.load %arg22[%swap3A_190, %swap3A_191] : memref<1600x36xf32, #tpu.memory_space<vmem>>, vector<50x36xf32>
      tpu.vector_store %arg22[%swap3A_190, %swap3A_191], %squeeze3A_189 {strides = array<i32>} : memref<1600x36xf32, #tpu.memory_space<vmem>>, vector<50x36xf32>,
      %slice3A_193 = vector.extract_strided_slice %reshape3A_83 {offsets = [0, 22, 0], sizes = [50, 1, 36], strides = [1, 1, 1]} : vector<50x32x36xf32> to vector<50x1x36xf32>
      %squeeze3A_194 = vector.shape_cast %slice3A_193 : vector<50x1x36xf32> to vector<50x36xf32>
      %swap3A_195 = arith.constant 1100 : index
      %swap3A_196 = arith.constant 0 : index
      %swap3A_197 = vector.load %arg22[%swap3A_195, %swap3A_196] : memref<1600x36xf32, #tpu.memory_space<vmem>>, vector<50x36xf32>
      tpu.vector_store %arg22[%swap3A_195, %swap3A_196], %squeeze3A_194 {strides = array<i32>} : memref<1600x36xf32, #tpu.memory_space<vmem>>, vector<50x36xf32>,
      %slice3A_198 = vector.extract_strided_slice %reshape3A_83 {offsets = [0, 23, 0], sizes = [50, 1, 36], strides = [1, 1, 1]} : vector<50x32x36xf32> to vector<50x1x36xf32>
      %squeeze3A_199 = vector.shape_cast %slice3A_198 : vector<50x1x36xf32> to vector<50x36xf32>
      %swap3A_200 = arith.constant 1150 : index
      %swap3A_201 = arith.constant 0 : index
      %swap3A_202 = vector.load %arg22[%swap3A_200, %swap3A_201] : memref<1600x36xf32, #tpu.memory_space<vmem>>, vector<50x36xf32>
      tpu.vector_store %arg22[%swap3A_200, %swap3A_201], %squeeze3A_199 {strides = array<i32>} : memref<1600x36xf32, #tpu.memory_space<vmem>>, vector<50x36xf32>,
      %slice3A_203 = vector.extract_strided_slice %reshape3A_83 {offsets = [0, 24, 0], sizes = [50, 1, 36], strides = [1, 1, 1]} : vector<50x32x36xf32> to vector<50x1x36xf32>
      %squeeze3A_204 = vector.shape_cast %slice3A_203 : vector<50x1x36xf32> to vector<50x36xf32>
      %swap3A_205 = arith.constant 1200 : index
      %swap3A_206 = arith.constant 0 : index
      %swap3A_207 = vector.load %arg22[%swap3A_205, %swap3A_206] : memref<1600x36xf32, #tpu.memory_space<vmem>>, vector<50x36xf32>
      tpu.vector_store %arg22[%swap3A_205, %swap3A_206], %squeeze3A_204 {strides = array<i32>} : memref<1600x36xf32, #tpu.memory_space<vmem>>, vector<50x36xf32>,
      %slice3A_208 = vector.extract_strided_slice %reshape3A_83 {offsets = [0, 25, 0], sizes = [50, 1, 36], strides = [1, 1, 1]} : vector<50x32x36xf32> to vector<50x1x36xf32>
      %squeeze3A_209 = vector.shape_cast %slice3A_208 : vector<50x1x36xf32> to vector<50x36xf32>
      %swap3A_210 = arith.constant 1250 : index
      %swap3A_211 = arith.constant 0 : index
      %swap3A_212 = vector.load %arg22[%swap3A_210, %swap3A_211] : memref<1600x36xf32, #tpu.memory_space<vmem>>, vector<50x36xf32>
      tpu.vector_store %arg22[%swap3A_210, %swap3A_211], %squeeze3A_209 {strides = array<i32>} : memref<1600x36xf32, #tpu.memory_space<vmem>>, vector<50x36xf32>,
      %slice3A_213 = vector.extract_strided_slice %reshape3A_83 {offsets = [0, 26, 0], sizes = [50, 1, 36], strides = [1, 1, 1]} : vector<50x32x36xf32> to vector<50x1x36xf32>
      %squeeze3A_214 = vector.shape_cast %slice3A_213 : vector<50x1x36xf32> to vector<50x36xf32>
      %swap3A_215 = arith.constant 1300 : index
      %swap3A_216 = arith.constant 0 : index
      %swap3A_217 = vector.load %arg22[%swap3A_215, %swap3A_216] : memref<1600x36xf32, #tpu.memory_space<vmem>>, vector<50x36xf32>
      tpu.vector_store %arg22[%swap3A_215, %swap3A_216], %squeeze3A_214 {strides = array<i32>} : memref<1600x36xf32, #tpu.memory_space<vmem>>, vector<50x36xf32>,
      %slice3A_218 = vector.extract_strided_slice %reshape3A_83 {offsets = [0, 27, 0], sizes = [50, 1, 36], strides = [1, 1, 1]} : vector<50x32x36xf32> to vector<50x1x36xf32>
      %squeeze3A_219 = vector.shape_cast %slice3A_218 : vector<50x1x36xf32> to vector<50x36xf32>
      %swap3A_220 = arith.constant 1350 : index
      %swap3A_221 = arith.constant 0 : index
      %swap3A_222 = vector.load %arg22[%swap3A_220, %swap3A_221] : memref<1600x36xf32, #tpu.memory_space<vmem>>, vector<50x36xf32>
      tpu.vector_store %arg22[%swap3A_220, %swap3A_221], %squeeze3A_219 {strides = array<i32>} : memref<1600x36xf32, #tpu.memory_space<vmem>>, vector<50x36xf32>,
      %slice3A_223 = vector.extract_strided_slice %reshape3A_83 {offsets = [0, 28, 0], sizes = [50, 1, 36], strides = [1, 1, 1]} : vector<50x32x36xf32> to vector<50x1x36xf32>
      %squeeze3A_224 = vector.shape_cast %slice3A_223 : vector<50x1x36xf32> to vector<50x36xf32>
      %swap3A_225 = arith.constant 1400 : index
      %swap3A_226 = arith.constant 0 : index
      %swap3A_227 = vector.load %arg22[%swap3A_225, %swap3A_226] : memref<1600x36xf32, #tpu.memory_space<vmem>>, vector<50x36xf32>
      tpu.vector_store %arg22[%swap3A_225, %swap3A_226], %squeeze3A_224 {strides = array<i32>} : memref<1600x36xf32, #tpu.memory_space<vmem>>, vector<50x36xf32>,
      %slice3A_228 = vector.extract_strided_slice %reshape3A_83 {offsets = [0, 29, 0], sizes = [50, 1, 36], strides = [1, 1, 1]} : vector<50x32x36xf32> to vector<50x1x36xf32>
      %squeeze3A_229 = vector.shape_cast %slice3A_228 : vector<50x1x36xf32> to vector<50x36xf32>
      %swap3A_230 = arith.constant 1450 : index
      %swap3A_231 = arith.constant 0 : index
      %swap3A_232 = vector.load %arg22[%swap3A_230, %swap3A_231] : memref<1600x36xf32, #tpu.memory_space<vmem>>, vector<50x36xf32>
      tpu.vector_store %arg22[%swap3A_230, %swap3A_231], %squeeze3A_229 {strides = array<i32>} : memref<1600x36xf32, #tpu.memory_space<vmem>>, vector<50x36xf32>,
      %slice3A_233 = vector.extract_strided_slice %reshape3A_83 {offsets = [0, 30, 0], sizes = [50, 1, 36], strides = [1, 1, 1]} : vector<50x32x36xf32> to vector<50x1x36xf32>
      %squeeze3A_234 = vector.shape_cast %slice3A_233 : vector<50x1x36xf32> to vector<50x36xf32>
      %swap3A_235 = arith.constant 1500 : index
      %swap3A_236 = arith.constant 0 : index
      %swap3A_237 = vector.load %arg22[%swap3A_235, %swap3A_236] : memref<1600x36xf32, #tpu.memory_space<vmem>>, vector<50x36xf32>
      tpu.vector_store %arg22[%swap3A_235, %swap3A_236], %squeeze3A_234 {strides = array<i32>} : memref<1600x36xf32, #tpu.memory_space<vmem>>, vector<50x36xf32>,
      %slice3A_238 = vector.extract_strided_slice %reshape3A_83 {offsets = [0, 31, 0], sizes = [50, 1, 36], strides = [1, 1, 1]} : vector<50x32x36xf32> to vector<50x1x36xf32>
      %squeeze3A_239 = vector.shape_cast %slice3A_238 : vector<50x1x36xf32> to vector<50x36xf32>
      %swap3A_240 = arith.constant 1550 : index
      %swap3A_241 = arith.constant 0 : index
      %swap3A_242 = vector.load %arg22[%swap3A_240, %swap3A_241] : memref<1600x36xf32, #tpu.memory_space<vmem>>, vector<50x36xf32>
      tpu.vector_store %arg22[%swap3A_240, %swap3A_241], %squeeze3A_239 {strides = array<i32>} : memref<1600x36xf32, #tpu.memory_space<vmem>>, vector<50x36xf32>,
      %broadcast_in_dim3A_243 = arith.constant 0.000000e+00 : f32
      %broadcast_in_dim3A_244 = vector.broadcast %broadcast_in_dim3A_243 : f32 to vector<32x33xf32>
      %swap3A_245 = arith.constant 0 : index
      %swap3A_246 = arith.constant 0 : index
      %swap3A_247 = vector.load %arg23[%swap3A_245, %swap3A_246] : memref<32x33xf32, #tpu.memory_space<vmem>>, vector<32x33xf32>
      tpu.vector_store %arg23[%swap3A_245, %swap3A_246], %broadcast_in_dim3A_244 {strides = array<i32>} : memref<32x33xf32, #tpu.memory_space<vmem>>, vector<32x33xf32>,
      %broadcast_in_dim3A_248 = arith.constant 0.000000e+00 : f32
      %broadcast_in_dim3A_249 = vector.broadcast %broadcast_in_dim3A_248 : f32 to vector<1600x68xf32>
      %swap3A_250 = arith.constant 0 : index
      %swap3A_251 = arith.constant 0 : index
      %swap3A_252 = vector.load %arg24[%swap3A_250, %swap3A_251] : memref<1600x68xf32, #tpu.memory_space<vmem>>, vector<1600x68xf32>
      tpu.vector_store %arg24[%swap3A_250, %swap3A_251], %broadcast_in_dim3A_249 {strides = array<i32>} : memref<1600x68xf32, #tpu.memory_space<vmem>>, vector<1600x68xf32>,
    } else {
    }
    %gt3A = arith.constant 0 : i32
    %gt3A_2 = arith.cmpi sgt, %arg0, %gt3A : i32
    %convert_element_type3A_3 = arith.extui %gt3A_2 : i1 to i32
    %cond3A_4 = arith.constant 0 : i32
    %cond3A_5 = arith.cmpi ne, %convert_element_type3A_3, %cond3A_4 : i32
    scf.if %cond3A_5 {
      %sub3A = arith.constant 1 : i32
      %sub3A_6 = arith.subi %arg0, %sub3A : i32
      %get3A = arith.constant 0 : index
      %get3A_7 = arith.constant 0 : index
      %get3A_8 = vector.load %arg23[%get3A, %get3A_7] : memref<32x33xf32, #tpu.memory_space<vmem>>, vector<32x33xf32>
      %get3A_9 = arith.constant 0 : index
      %get3A_10 = arith.constant 0 : index
      %get3A_11 = vector.load %arg24[%get3A_9, %get3A_10] : memref<1600x68xf32, #tpu.memory_space<vmem>>, vector<1600x68xf32>
      %get3A_12 = arith.index_cast %sub3A_6 : i32 to index
      %get3A_13 = arith.constant 0 : index
      %get3A_14 = arith.constant 0 : index
      %get3A_15 = vector.load %arg19[%get3A_12, %get3A_13, %get3A_14] : memref<50x32x34xf32, #tpu.memory_space<vmem>>, vector<1x32x34xf32>
      %get3A_16 = vector.shape_cast %get3A_15 : vector<1x32x34xf32> to vector<32x34xf32>
      %get3A_17 = arith.constant 0 : index
      %get3A_18 = arith.constant 0 : index
      %get3A_19 = vector.load %arg9[%get3A_17, %get3A_18] : memref<33x34xf32, #tpu.memory_space<vmem>>, vector<33x34xf32>
      %dot_general3A = arith.constant dense<0.000000e+00> : vector<32x34xf32>
      %dot_general3A_20 = tpu.matmul %get3A_8, %get3A_19, %dot_general3A {dimension_numbers = #tpu.dot_dimension_numbers<[1], [0], [0], [1], [0, 0, 1, 1], [], []>, transpose_lhs_hint = false} : vector<32x33xf32>, vector<33x34xf32>, vector<32x34xf32> -> vector<32x34xf32>
      %add3A = arith.addf %get3A_16, %dot_general3A_20 : vector<32x34xf32>
      %get3A_21 = arith.constant 0 : index
      %get3A_22 = arith.constant 0 : index
      %get3A_23 = vector.load %arg10[%get3A_21, %get3A_22] : memref<1x34xf32, #tpu.memory_space<vmem>>, vector<1x34xf32>
      %add3A_24 = vector.broadcast %get3A_23 : vector<1x34xf32> to vector<32x34xf32>
      %add3A_25 = arith.addf %add3A, %add3A_24 : vector<32x34xf32>
      %swap3A = arith.constant 0 : index
      %swap3A_26 = arith.constant 0 : index
      %swap3A_27 = arith.constant 0 : index
      %swap3A_28 = arith.constant 0 : index
      %swap3A_29 = vector.load %arg13[%swap3A, %swap3A_26, %swap3A_27, %swap3A_28] : memref<32x1x1x34xf32, #tpu.memory_space<vmem>>, vector<32x1x1x34xf32>
      %swap3A_30 = vector.shape_cast %swap3A_29 : vector<32x1x1x34xf32> to vector<32x34xf32>
      %swap3A_31 = vector.shape_cast %add3A_25 : vector<32x34xf32> to vector<32x1x1x34xf32>
      tpu.vector_store %arg13[%swap3A, %swap3A_26, %swap3A_27, %swap3A_28], %swap3A_31 {strides = array<i32>} : memref<32x1x1x34xf32, #tpu.memory_space<vmem>>, vector<32x1x1x34xf32>,
      %iota3A = tpu.iota {dimensions = array<i32: 1>} : vector<32x34xi32>
      %reduce_max3A = arith.constant dense<0xFF800000> : vector<32xf32>
      %reduce_max3A_32 = vector.multi_reduction <maximumf>, %add3A_25, %reduce_max3A [1] : vector<32x34xf32> to vector<32xf32>
      %broadcast_in_dim3A = vector.shape_cast %reduce_max3A_32 : vector<32xf32> to vector<32x1xf32>
      %eq3A_33 = vector.broadcast %broadcast_in_dim3A : vector<32x1xf32> to vector<32x34xf32>
      %eq3A_34 = arith.cmpf oeq, %add3A_25, %eq3A_33 : vector<32x34xf32>
      %jit3A = arith.constant 34 : i32
      %broadcast_in_dim3A_35 = vector.broadcast %jit3A : i32 to vector<32x34xi32>
      %select_n3A = arith.select %eq3A_34, %iota3A, %broadcast_in_dim3A_35 : vector<32x34xi1>, vector<32x34xi32>
      %reduce_min3A = arith.constant dense<2147483647> : vector<32xi32>
      %reduce_min3A_36 = vector.multi_reduction <minsi>, %select_n3A, %reduce_min3A [1] : vector<32x34xi32> to vector<32xi32>
      %broadcast_in_dim3A_37 = vector.shape_cast %reduce_min3A_36 : vector<32xi32> to vector<32x1xi32>
      %get3A_38 = arith.constant 0 : index
      %get3A_39 = arith.constant 0 : index
      %get3A_40 = vector.load %arg22[%get3A_38, %get3A_39] : memref<1600x36xf32, #tpu.memory_space<vmem>>, vector<1600x36xf32>
      %get3A_41 = arith.index_cast %sub3A_6 : i32 to index
      %get3A_42 = arith.constant 0 : index
      %get3A_43 = arith.constant 0 : index
      %get3A_44 = vector.load %arg20[%get3A_41, %get3A_42, %get3A_43] : memref<50x32x36xf32, #tpu.memory_space<vmem>>, vector<1x32x36xf32>
      %get3A_45 = vector.shape_cast %get3A_44 : vector<1x32x36xf32> to vector<32x36xf32>
      %broadcast_in_dim3A_46 = vector.shape_cast %get3A_45 : vector<32x36xf32> to vector<32x1x36xf32>
      %broadcast_in_dim3A_47 = vector.shape_cast %broadcast_in_dim3A_46 : vector<32x1x36xf32> to vector<32x1x36xf32>
      %broadcast_in_dim3A_48 = vector.broadcast %broadcast_in_dim3A_47 : vector<32x1x36xf32> to vector<32x50x36xf32>
      %reshape3A = vector.shape_cast %broadcast_in_dim3A_48 : vector<32x50x36xf32> to vector<1600x36xf32>
      %add3A_49 = arith.addf %get3A_40, %reshape3A : vector<1600x36xf32>
      %get3A_50 = arith.index_cast %sub3A_6 : i32 to index
      %get3A_51 = arith.constant 0 : index
      %get3A_52 = arith.constant 0 : index
      %get3A_53 = vector.load %arg21[%get3A_50, %get3A_51, %get3A_52] : memref<50x32x36xf32, #tpu.memory_space<vmem>>, vector<1x32x36xf32>
      %get3A_54 = vector.shape_cast %get3A_53 : vector<1x32x36xf32> to vector<32x36xf32>
      %broadcast_in_dim3A_55 = vector.shape_cast %get3A_54 : vector<32x36xf32> to vector<32x1x36xf32>
      %broadcast_in_dim3A_56 = vector.shape_cast %broadcast_in_dim3A_55 : vector<32x1x36xf32> to vector<32x1x36xf32>
      %broadcast_in_dim3A_57 = vector.broadcast %broadcast_in_dim3A_56 : vector<32x1x36xf32> to vector<32x50x36xf32>
      %reshape3A_58 = vector.shape_cast %broadcast_in_dim3A_57 : vector<32x50x36xf32> to vector<1600x36xf32>
      %add3A_59 = arith.addf %add3A_49, %reshape3A_58 : vector<1600x36xf32>
      %get3A_60 = arith.constant 0 : index
      %get3A_61 = arith.constant 0 : index
      %get3A_62 = vector.load %arg11[%get3A_60, %get3A_61] : memref<68x36xf32, #tpu.memory_space<vmem>>, vector<68x36xf32>
      %dot_general3A_63 = arith.constant dense<0.000000e+00> : vector<1600x36xf32>
      %dot_general3A_64 = tpu.matmul %get3A_11, %get3A_62, %dot_general3A_63 {dimension_numbers = #tpu.dot_dimension_numbers<[1], [0], [0], [1], [0, 0, 1, 1], [], []>, transpose_lhs_hint = false} : vector<1600x68xf32>, vector<68x36xf32>, vector<1600x36xf32> -> vector<1600x36xf32>
      %add3A_65 = arith.addf %add3A_59, %dot_general3A_64 : vector<1600x36xf32>
      %get3A_66 = arith.constant 0 : index
      %get3A_67 = arith.constant 0 : index
      %get3A_68 = vector.load %arg12[%get3A_66, %get3A_67] : memref<1x36xf32, #tpu.memory_space<vmem>>, vector<1x36xf32>
      %add3A_69 = vector.broadcast %get3A_68 : vector<1x36xf32> to vector<1600x36xf32>
      %add3A_70 = arith.addf %add3A_65, %add3A_69 : vector<1600x36xf32>
      %reshape3A_71 = vector.shape_cast %add3A_70 : vector<1600x36xf32> to vector<32x50x36xf32>
      %swap3A_72 = arith.constant 0 : index
      %swap3A_73 = arith.constant 0 : index
      %swap3A_74 = arith.constant 0 : index
      %swap3A_75 = arith.constant 0 : index
      %swap3A_76 = vector.load %arg14[%swap3A_72, %swap3A_73, %swap3A_74, %swap3A_75] : memref<32x1x50x36xf32, #tpu.memory_space<vmem>>, vector<32x1x50x36xf32>
      %swap3A_77 = vector.shape_cast %swap3A_76 : vector<32x1x50x36xf32> to vector<32x50x36xf32>
      %swap3A_78 = vector.shape_cast %reshape3A_71 : vector<32x50x36xf32> to vector<32x1x50x36xf32>
      tpu.vector_store %arg14[%swap3A_72, %swap3A_73, %swap3A_74, %swap3A_75], %swap3A_78 {strides = array<i32>} : memref<32x1x50x36xf32, #tpu.memory_space<vmem>>, vector<32x1x50x36xf32>,
      %iota3A_79 = tpu.iota {dimensions = array<i32: 1>} : vector<1600x36xi32>
      %reduce_max3A_80 = arith.constant dense<0xFF800000> : vector<1600xf32>
      %reduce_max3A_81 = vector.multi_reduction <maximumf>, %add3A_70, %reduce_max3A_80 [1] : vector<1600x36xf32> to vector<1600xf32>
      %broadcast_in_dim3A_82 = vector.shape_cast %reduce_max3A_81 : vector<1600xf32> to vector<1600x1xf32>
      %eq3A_83 = vector.broadcast %broadcast_in_dim3A_82 : vector<1600x1xf32> to vector<1600x36xf32>
      %eq3A_84 = arith.cmpf oeq, %add3A_70, %eq3A_83 : vector<1600x36xf32>
      %jit3A_85 = arith.constant 36 : i32
      %broadcast_in_dim3A_86 = vector.broadcast %jit3A_85 : i32 to vector<1600x36xi32>
      %select_n3A_87 = arith.select %eq3A_84, %iota3A_79, %broadcast_in_dim3A_86 : vector<1600x36xi1>, vector<1600x36xi32>
      %reduce_min3A_88 = arith.constant dense<2147483647> : vector<1600xi32>
      %reduce_min3A_89 = vector.multi_reduction <minsi>, %select_n3A_87, %reduce_min3A_88 [1] : vector<1600x36xi32> to vector<1600xi32>
      %broadcast_in_dim3A_90 = vector.shape_cast %reduce_min3A_89 : vector<1600xi32> to vector<1600x1xi32>
      %gt3A_91 = arith.constant 0 : i32
      %gt3A_92 = vector.broadcast %gt3A_91 : i32 to vector<32x1xi32>
      %gt3A_93 = arith.cmpi sgt, %broadcast_in_dim3A_37, %gt3A_92 : vector<32x1xi32>
      %sub3A_94 = arith.constant 1 : i32
      %sub3A_95 = vector.broadcast %sub3A_94 : i32 to vector<32x1xi32>
      %sub3A_96 = arith.subi %broadcast_in_dim3A_37, %sub3A_95 : vector<32x1xi32>
      %max3A = arith.constant 0 : i32
      %max3A_97 = vector.broadcast %max3A : i32 to vector<32x1xi32>
      %max3A_98 = arith.maxsi %sub3A_96, %max3A_97 : vector<32x1xi32>
      %gt3A_99 = arith.constant 0 : i32
      %gt3A_100 = vector.broadcast %gt3A_99 : i32 to vector<1600x1xi32>
      %gt3A_101 = arith.cmpi sgt, %broadcast_in_dim3A_90, %gt3A_100 : vector<1600x1xi32>
      %sub3A_102 = arith.constant 1 : i32
      %sub3A_103 = vector.broadcast %sub3A_102 : i32 to vector<1600x1xi32>
      %sub3A_104 = arith.subi %broadcast_in_dim3A_90, %sub3A_103 : vector<1600x1xi32>
      %max3A_105 = arith.constant 0 : i32
      %max3A_106 = vector.broadcast %max3A_105 : i32 to vector<1600x1xi32>
      %max3A_107 = arith.maxsi %sub3A_104, %max3A_106 : vector<1600x1xi32>
      %broadcast_in_dim3A_108 = vector.shape_cast %gt3A_93 : vector<32x1xi1> to vector<32x1x1xi1>
      %broadcast_in_dim3A_109 = vector.shape_cast %broadcast_in_dim3A_108 : vector<32x1x1xi1> to vector<32x1x1xi1>
      %broadcast_in_dim3A_110 = vector.broadcast %broadcast_in_dim3A_109 : vector<32x1x1xi1> to vector<32x50x1xi1>
      %reshape3A_111 = vector.shape_cast %broadcast_in_dim3A_110 : vector<32x50x1xi1> to vector<1600x1xi1>
      %broadcast_in_dim3A_112 = vector.shape_cast %max3A_98 : vector<32x1xi32> to vector<32x1x1xi32>
      %broadcast_in_dim3A_113 = vector.shape_cast %broadcast_in_dim3A_112 : vector<32x1x1xi32> to vector<32x1x1xi32>
      %broadcast_in_dim3A_114 = vector.broadcast %broadcast_in_dim3A_113 : vector<32x1x1xi32> to vector<32x50x1xi32>
      %reshape3A_115 = vector.shape_cast %broadcast_in_dim3A_114 : vector<32x50x1xi32> to vector<1600x1xi32>
      %iota3A_116 = tpu.iota {dimensions = array<i32: 1>} : vector<32x33xi32>
      %iota3A_117 = tpu.iota {dimensions = array<i32: 1>} : vector<1600x68xi32>
      %eq3A_118 = vector.broadcast %max3A_98 : vector<32x1xi32> to vector<32x33xi32>
      %eq3A_119 = arith.cmpi eq, %iota3A_116, %eq3A_118 : vector<32x33xi32>
      %and3A = vector.broadcast %gt3A_93 : vector<32x1xi1> to vector<32x33xi1>
      %and3A_120 = arith.andi %eq3A_119, %and3A : vector<32x33xi1>
      %jit3A_121 = arith.constant 1.000000e+00 : f32
      %jit3A_122 = arith.constant 0.000000e+00 : f32
      %broadcast_in_dim3A_123 = vector.broadcast %jit3A_121 : f32 to vector<32x33xf32>
      %broadcast_in_dim3A_124 = vector.broadcast %jit3A_122 : f32 to vector<32x33xf32>
      %select_n3A_125 = arith.select %and3A_120, %broadcast_in_dim3A_123, %broadcast_in_dim3A_124 : vector<32x33xi1>, vector<32x33xf32>
      %max3A_126 = arith.maximumf %get3A_8, %select_n3A_125 : vector<32x33xf32>
      %swap3A_127 = arith.constant 0 : index
      %swap3A_128 = arith.constant 0 : index
      %swap3A_129 = vector.load %arg23[%swap3A_127, %swap3A_128] : memref<32x33xf32, #tpu.memory_space<vmem>>, vector<32x33xf32>
      tpu.vector_store %arg23[%swap3A_127, %swap3A_128], %max3A_126 {strides = array<i32>} : memref<32x33xf32, #tpu.memory_space<vmem>>, vector<32x33xf32>,
      %eq3A_130 = vector.broadcast %max3A_107 : vector<1600x1xi32> to vector<1600x68xi32>
      %eq3A_131 = arith.cmpi eq, %iota3A_117, %eq3A_130 : vector<1600x68xi32>
      %add3A_132 = arith.constant 35 : i32
      %add3A_133 = vector.broadcast %add3A_132 : i32 to vector<1600x1xi32>
      %add3A_134 = arith.addi %reshape3A_115, %add3A_133 : vector<1600x1xi32>
      %eq3A_135 = vector.broadcast %add3A_134 : vector<1600x1xi32> to vector<1600x68xi32>
      %eq3A_136 = arith.cmpi eq, %iota3A_117, %eq3A_135 : vector<1600x68xi32>
      %or3A = arith.ori %eq3A_131, %eq3A_136 : vector<1600x68xi1>
      %and3A_137 = vector.broadcast %gt3A_101 : vector<1600x1xi1> to vector<1600x68xi1>
      %and3A_138 = arith.andi %or3A, %and3A_137 : vector<1600x68xi1>
      %and3A_139 = vector.broadcast %reshape3A_111 : vector<1600x1xi1> to vector<1600x68xi1>
      %and3A_140 = arith.andi %and3A_138, %and3A_139 : vector<1600x68xi1>
      %jit3A_141 = arith.constant 1.000000e+00 : f32
      %jit3A_142 = arith.constant 0.000000e+00 : f32
      %broadcast_in_dim3A_143 = vector.broadcast %jit3A_141 : f32 to vector<1600x68xf32>
      %broadcast_in_dim3A_144 = vector.broadcast %jit3A_142 : f32 to vector<1600x68xf32>
      %select_n3A_145 = arith.select %and3A_140, %broadcast_in_dim3A_143, %broadcast_in_dim3A_144 : vector<1600x68xi1>, vector<1600x68xf32>
      %max3A_146 = arith.maximumf %get3A_11, %select_n3A_145 : vector<1600x68xf32>
      %swap3A_147 = arith.constant 0 : index
      %swap3A_148 = arith.constant 0 : index
      %swap3A_149 = vector.load %arg24[%swap3A_147, %swap3A_148] : memref<1600x68xf32, #tpu.memory_space<vmem>>, vector<1600x68xf32>
      tpu.vector_store %arg24[%swap3A_147, %swap3A_148], %max3A_146 {strides = array<i32>} : memref<1600x68xf32, #tpu.memory_space<vmem>>, vector<1600x68xf32>,
    } else {
    }
    return
  }
  func.func @transform_0(%arg0: i32) -> (i32, i32, i32) {
    %c0_i32 = arith.constant 0 : i32
    %c0_i32_0 = arith.constant 0 : i32
    %c0_i32_1 = arith.constant 0 : i32
    %c0_i32_2 = arith.constant 0 : i32
    return %c0_i32, %c0_i32_0, %c0_i32_1 : i32, i32, i32
  }
  func.func @transform_1(%arg0: i32) -> (i32, i32) {
    %c0_i32 = arith.constant 0 : i32
    %c0_i32_0 = arith.constant 0 : i32
    %c0_i32_1 = arith.constant 0 : i32
    return %c0_i32, %c0_i32_0 : i32, i32
  }
  func.func @transform_2(%arg0: i32) -> (i32, i32) {
    %c0_i32 = arith.constant 0 : i32
    %c0_i32_0 = arith.constant 0 : i32
    %c0_i32_1 = arith.constant 0 : i32
    return %c0_i32, %c0_i32_0 : i32, i32
  }
  func.func @transform_3(%arg0: i32) -> (i32, i32) {
    %c0_i32 = arith.constant 0 : i32
    %c0_i32_0 = arith.constant 0 : i32
    %c0_i32_1 = arith.constant 0 : i32
    return %c0_i32, %c0_i32_0 : i32, i32
  }
  func.func @transform_4(%arg0: i32) -> (i32, i32) {
    %c0_i32 = arith.constant 0 : i32
    %c0_i32_0 = arith.constant 0 : i32
    %c0_i32_1 = arith.constant 0 : i32
    return %c0_i32, %c0_i32_0 : i32, i32
  }
  func.func @transform_5(%arg0: i32) -> (i32, i32) {
    %c0_i32 = arith.constant 0 : i32
    %c0_i32_0 = arith.constant 0 : i32
    %c0_i32_1 = arith.constant 0 : i32
    return %c0_i32, %c0_i32_0 : i32, i32
  }
  func.func @transform_6(%arg0: i32) -> (i32, i32) {
    %c0_i32 = arith.constant 0 : i32
    %c0_i32_0 = arith.constant 0 : i32
    %c0_i32_1 = arith.constant 0 : i32
    return %c0_i32, %c0_i32_0 : i32, i32
  }
  func.func @transform_7(%arg0: i32) -> (i32, i32) {
    %c0_i32 = arith.constant 0 : i32
    %c0_i32_0 = arith.constant 0 : i32
    %c0_i32_1 = arith.constant 0 : i32
    return %c0_i32, %c0_i32_0 : i32, i32
  }
  func.func @transform_8(%arg0: i32) -> (i32, i32) {
    %c0_i32 = arith.constant 0 : i32
    %c0_i32_0 = arith.constant 0 : i32
    %c0_i32_1 = arith.constant 0 : i32
    return %c0_i32, %c0_i32_0 : i32, i32
  }
  func.func @transform_9(%arg0: i32) -> (i32, i32) {
    %c0_i32 = arith.constant 0 : i32
    %c0_i32_0 = arith.constant 0 : i32
    %c0_i32_1 = arith.constant 0 : i32
    return %c0_i32, %c0_i32_0 : i32, i32
  }
  func.func @transform_10(%arg0: i32) -> (i32, i32) {
    %c0_i32 = arith.constant 0 : i32
    %c0_i32_0 = arith.constant 0 : i32
    %c0_i32_1 = arith.constant 0 : i32
    return %c0_i32, %c0_i32_0 : i32, i32
  }
  func.func @transform_11(%arg0: i32) -> (i32, i32) {
    %c0_i32 = arith.constant 0 : i32
    %c0_i32_0 = arith.constant 0 : i32
    %c0_i32_1 = arith.constant 0 : i32
    return %c0_i32, %c0_i32_0 : i32, i32
  }
  func.func @transform_12(%arg0: i32) -> (i32, i32, i32, i32) {
    %sub3A = arith.constant 1 : i32
    %sub3A_0 = arith.subi %arg0, %sub3A : i32
    %max3A = arith.constant 0 : i32
    %max3A_1 = arith.maxsi %sub3A_0, %max3A : i32
    %c0_i32 = arith.constant 0 : i32
    %c0_i32_2 = arith.constant 0 : i32
    %c0_i32_3 = arith.constant 0 : i32
    %c0_i32_4 = arith.constant 0 : i32
    return %c0_i32, %max3A_1, %c0_i32_2, %c0_i32_3 : i32, i32, i32, i32
  }
  func.func @transform_13(%arg0: i32) -> (i32, i32, i32, i32) {
    %sub3A = arith.constant 1 : i32
    %sub3A_0 = arith.subi %arg0, %sub3A : i32
    %max3A = arith.constant 0 : i32
    %max3A_1 = arith.maxsi %sub3A_0, %max3A : i32
    %c0_i32 = arith.constant 0 : i32
    %c0_i32_2 = arith.constant 0 : i32
    %c0_i32_3 = arith.constant 0 : i32
    %c0_i32_4 = arith.constant 0 : i32
    return %c0_i32, %max3A_1, %c0_i32_2, %c0_i32_3 : i32, i32, i32, i32
  }
}

</mosaic_0001>

<sc_bundles>
// kernel: kernel.4.cloned.1.call-start
scs
__scs_entry_jumppad:
0x0: {  	(pc) =	sbr.rel $0x88, $3  }
0x1: {  	(tag) =	ssettag $0x0;
	lr =	simm.s32 $0x1  }
0x2: {  	[smem:$0x3F95] =	sst lr;
	_ =	strace $0xD0000000  }
0x3: {  	_ = 	snop  }
0x4: {  	_ = 	snop  }
0x5: {  	_ = 	snop  }
0x6: {  	_ = 	snop  }
0x7: {  	_ = 	snop  }
__scs_overlays_trampoline_lowered:
0x8: {  	[smem:$0x3FA4] =	sst s0  }
0x9: {  	[smem:$0x3FA5] =	sst s1  }
0xa: {  	[smem:$0x3FA6] =	sst s2  }
0xb: {  	[smem:$0x3FA7] =	sst s3  }
0xc: {  	[smem:$0x3FA8] =	sst s4  }
0xd: {  	[smem:$0x3FA9] =	sst s5  }
0xe: {  	[smem:$0x3FAA] =	sst s6  }
0xf: {  	[smem:$0x3FAB] =	sst s7  }
0x10: {  	[smem:$0x3FAC] =	sst s8  }
0x11: {  	[smem:$0x3FAD] =	sst s9;
	s0 =	simm.s32 @!p0 $0x0  }
0x12: {  	s1 =	sld [smem:$0x3F93];
	s0 =	simm.s32 @p0 $0x1  }
0x13: {  	[smem:$0x3FAE] =	sst s0;
	s0 =	simm.s32 @!p1 $0x0  }
0x14: {  	s2 =	sld [smem:$0x3F92];
	s0 =	simm.s32 @p1 $0x1  }
0x15: {  	[smem:$0x3FAF] =	sst s0;
	s0 =	simm.s32 @!p2 $0x0  }
0x16: {  	s3 =	sld [smem:$0x3FDB];
	s0 =	simm.s32 @p2 $0x1  }
0x17: {  	s4 =	simm.s32 $0x1BF5;
	[smem:$0x3FB1] =	sst s0  }
0x18: {  	s0 =	sld [smem:$0x3F94];
	_ =	swait.ge [sflag:s4], $0x0  }
0x19: {  	s7 =	sld [smem:$0x3F95]  }
0x1a: {  	s8 =	sadd.s32 $0xFFFFE003, lr  }
0x1b: {  	s9 =	sadd.s32 $0xFFFFFEF7, lr;
	s5 =	simm.s32 $0xFFFFFFFF;
	p2 =	slt.u32 s8, $0xFFFFF086  }
0x1c: {  	p1 =	slt.u32 s9, $0xF7A;
	s5 =	simm.s32 @!p2 $0x0  }
0x1d: {  	s5 =	simm.s32 @p1 $0x1;
	p0 =	seq.s32 s7, s2  }
0x1e: {  	s7 =	smul.u32 @!p0 $0xF7A, s2;
	p2 =	seq.s32 @!p0 s5, $0x0  }
0x1f: {  	s9 =	smul.u32 $0xF7A, s1;
	s8 =	simm.s32 @!p0 $0x1BF5;
	p2 =	por !p2, p0  }
0x20: {  	[sflag:s8] =	ssyncset.s32 @!p0 $0xFFFFF086;
	s6 =	sadd.s32 @!p0 s3, s7;
	s7 =	simm.s32 @!p0 $0x108  }
0x21: {  	s3 =	sadd.s32 s3, s9;
	s6 =	sadd.s32 @!p0 $0x88, s6;
	s7 =	simm.s32 @p2 $0x1082  }
0x22: {  	[simem:s7], [sflag:s8] =	dma.local @!p0 [hbm:s6], $0xF7A  }
0x23: {  	s9 =	sor.u32 $0xD0000000, s2;
	s6 =	simm.s32 $0x108;
	_ =	swait.ge @!p0 [sflag:s8], $0x0  }
0x24: {  	s3 =	sadd.s32 $0x88, s3;
	s6 =	simm.s32 @!p1 $0x1082;
	[sflag:s4] =	ssyncset.s32 $0xFFFFF086  }
0x25: {  	[simem:s6], [sflag:s4] =	dma.local [hbm:s3], $0xF7A  }
0x26: {  	[smem:$0x3F95] =	sst s1;
	(tag) =	ssettag s2;
	_ =	strace s9  }
0x27: {  	s1 =	sld [smem:$0x3FA5]  }
0x28: {  	s2 =	sld [smem:$0x3FA6]  }
0x29: {  	s4 =	sld [smem:$0x3FA8]  }
0x2a: {  	p0 =	seq.s32 s5, $0x0;
	s5 =	sld [smem:$0x3FA9]  }
0x2b: {  	s6 =	sld [smem:$0x3FAA]  }
0x2c: {  	s7 =	sld [smem:$0x3FAB]  }
0x2d: {  	s3 =	simm.s32 $0x108;
	s8 =	sld [smem:$0x3FAC]  }
0x2e: {  	s3 =	simm.s32 @!p0 $0x1082;
	s9 =	sld [smem:$0x3FAD]  }
0x2f: {  	lr =	sadd.s32 s0, s3;
	s0 =	sld [smem:$0x3FA4]  }
0x30: {  	s3 =	sld [smem:$0x3FA7]  }
0x31: {  	[smem:$0x3FB0] =	sst s10  }
0x32: {  	s10 =	sld [smem:$0x3FAE];
	_ =	sdelay $0x3  }
0x33: {  	p0 =	seq.s32 s10, $0x1;
	s10 =	sld [smem:$0x3FB0];
	_ =	sdelay $0x3  }
0x34: {  	[smem:$0x3FB0] =	sst s10  }
0x35: {  	s10 =	sld [smem:$0x3FAF];
	_ =	sdelay $0x3  }
0x36: {  	p1 =	seq.s32 s10, $0x1;
	s10 =	sld [smem:$0x3FB0];
	_ =	sdelay $0x3  }
0x37: {  	[smem:$0x3FB0] =	sst s10  }
0x38: {  	s10 =	sld [smem:$0x3FB1]  }
0x39: {  	_ = 	snop;
	(pc) =	sbr.ind lr, $3  }
0x3a: {  	_ = 	snop  }
0x3b: {  	_ = 	snop  }
0x3c: {  	p2 =	seq.s32 s10, $0x1;
	s10 =	sld [smem:$0x3FB0]  }
0x3d: {  	_ =	shalt  }
0x3e: {  	_ =	shalt  }
0x3f: {  	_ =	shalt  }
0x40: {  	_ =	shalt  }
0x41: {  	_ =	shalt  }
0x42: {  	_ =	shalt  }
0x43: {  	_ =	shalt  }
0x44: {  	_ =	shalt  }
0x45: {  	_ =	shalt  }
0x46: {  	_ =	shalt  }
0x47: {  	_ =	shalt  }
0x48: {  	_ =	shalt  }
0x49: {  	_ =	shalt  }
0x4a: {  	_ =	shalt  }
0x4b: {  	_ =	shalt  }
0x4c: {  	_ =	shalt  }
0x4d: {  	_ =	shalt  }
0x4e: {  	_ =	shalt  }
0x4f: {  	_ =	shalt  }
0x50: {  	_ =	shalt  }
0x51: {  	_ =	shalt  }
0x52: {  	_ =	shalt  }
0x53: {  	_ =	shalt  }
0x54: {  	_ =	shalt  }
0x55: {  	_ =	shalt  }
0x56: {  	_ =	shalt  }
0x57: {  	_ =	shalt  }
0x58: {  	_ =	shalt  }
0x59: {  	_ =	shalt  }
0x5a: {  	_ =	shalt  }
0x5b: {  	_ =	shalt  }
0x5c: {  	_ =	shalt  }
0x5d: {  	_ =	shalt  }
0x5e: {  	_ =	shalt  }
0x5f: {  	_ =	shalt  }
0x60: {  	_ =	shalt  }
0x61: {  	_ =	shalt  }
0x62: {  	_ =	shalt  }
0x63: {  	_ =	shalt  }
0x64: {  	_ =	shalt  }
0x65: {  	_ =	shalt  }
0x66: {  	_ =	shalt  }
0x67: {  	_ =	shalt  }
0x68: {  	_ =	shalt  }
0x69: {  	_ =	shalt  }
0x6a: {  	_ =	shalt  }
0x6b: {  	_ =	shalt  }
0x6c: {  	_ =	shalt  }
0x6d: {  	_ =	shalt  }
0x6e: {  	_ =	shalt  }
0x6f: {  	_ =	shalt  }
0x70: {  	_ =	shalt  }
0x71: {  	_ =	shalt  }
0x72: {  	_ =	shalt  }
0x73: {  	_ =	shalt  }
0x74: {  	_ =	shalt  }
0x75: {  	_ =	shalt  }
0x76: {  	_ =	shalt  }
0x77: {  	_ =	shalt  }
0x78: {  	_ =	shalt  }
0x79: {  	_ =	shalt  }
0x7a: {  	_ =	shalt  }
0x7b: {  	_ =	shalt  }
0x7c: {  	_ =	shalt  }
0x7d: {  	_ =	shalt  }
0x7e: {  	_ =	shalt  }
0x7f: {  	_ =	shalt  }
0x80: {  	_ =	shalt  }
0x81: {  	_ =	shalt  }
0x82: {  	_ =	shalt  }
0x83: {  	_ =	shalt  }
0x84: {  	_ =	shalt  }
0x85: {  	_ =	shalt  }
0x86: {  	_ =	shalt  }
0x87: {  	_ =	shalt  }
.Lfunc_end0:
.L_simem_size_0:
called_computation_lowered:
.L_overlay_start_0:
0x88: {  	s2 =	sld [smem:$0x3FD9]  }
0x89: {  	s3 =	sld [smem:$0x3FFE];
	_ =	sdelay $0x1  }
0x8a: {  	s1 =	srdreg.scid  }
0x8b: {  	s0 =	sand.u32 $0x1, s1  }
0x8c: {  	s15 =	sshll.u32 s0, $0xA;
	s2 =	sadd.s32 s3, s2  }
0x8d: {  	s2 =	sadd.s32 s2, s15  }
0x8e: {  	[smem:$0x3FBC] =	sst s2  }
0x8f: {  	_ = 	snop  }
0x90: {  	s2 =	sld [smem:$0x3FD0];
	_ =	sdelay $0x2  }
0x91: {  	s4 =	simm.s32 $0xA;
	s5 =	simm.s32 $0x10;
	s16 =	sld [smem:$0x3FC8]  }
0x92: {  	[smem:s5], [sflag:s4] =	dma.local [hbm:s2], $0x1  }
0x93: {  	_ =	swait.eq [sflag:s4], $0x1  }
0x94: {  	[sflag:s4] =	ssyncset.done $0x0  }
0x95: {  	s17 =	sld [smem:$0x10];
	[sflag:s4] =	ssyncadd.s32 $0xFFFFFFFF  }
0x96: {  	s18 =	sld [smem:$0x11];
	(tm) =	ssettm $0x1  }
0x97: {  	s19 =	sld [smem:$0x3FFB];
	_ =	sdelay $0x3  }
0x98: {  	_ =	strace s19  }
0x99: {  	s5 =	sld [smem:$0x3FFC];
	_ =	sdelay $0x3  }
0x9a: {  	_ =	strace s5  }
0x9b: {  	s5 =	sld [smem:$0x3FFD];
	_ =	sdelay $0x3  }
0x9c: {  	_ =	strace s5  }
0x9d: {  	_ =	strace $0x8FFFFFFF  }
0x9e: {  	s20 =	sld [smem:$0x3FDB];
	_ =	sdelay $0x1  }
0x9f: {  	s6 =	simm.s32 $_scs_section_size  }
0xa0: {  	s7 =	simm.s32 $_size__tile_overlayer_lowered;
	s8 =	simm.s32 $_tile_overlayer_lowered  }
0xa1: {  	s23 =	simm.s32 $0x1BFF;
	s22 =	sshll.u32 s8, $0x1;
	s5 =	sadd.s32 s6, s20  }
0xa2: {  	s9 =	simm.s32 $0x0;
	s21 =	sshll.u32 s7, $0x1;
	s7 =	sadd.s32 s22, s5  }
0xa3: {  	[timem:s9], [sflag:s23] =	dma.local [hbm:s7], s21  }
0xa4: {  	_ =	swait.ge [sflag:s23], s21  }
0xa5: {  	s6 =	ssub.s32 $0x0, s21;
	[sflag:s23] =	ssyncset.done $0x0  }
0xa6: {  	[sflag:s23] =	ssyncadd.s32 s6;
	_ =	sdelay $0x1  }
0xa7: {  	s24 =	simm.s32 $0x1B8B  }
0xa8: {  	_ =	swait.ge [sflag:s24], $0x1  }
0xa9: {  	[sflag:s24] =	ssyncset.done $0x0  }
0xaa: {  	s25 =	simm.s32 $0x1B8E;
	[sflag:s24] =	ssyncadd.s32 $0xFFFFFFFF  }
0xab: {  	s26 =	simm.s32 $execute0_lowered;
	[smem:$0x3FD2] =	sst s25  }
0xac: {  	s6 =	sshll.u32 s26, $0x1;
	_ =	strace $0x80000046;
	[dreg:$0x1] =	wrdreg $0xFFFFFFFF  }
0xad: {  	s28 =	simm.s32 $_size_execute0_lowered;
	s5 =	sadd.s32 s5, s6;
	[dreg:$0x0] =	wrdreg $0x0  }
0xae: {  	s6 =	sshll.u32 s28, $0x1;
	[dreg:$0x2] =	wrdreg s5  }
0xaf: {  	[dreg:$0x3] =	wrdreg s6  }
0xb0: {  	[dreg:$0x4] =	wrdreg $0xC0  }
0xb1: {  	_ =	task [dreg:s9], $0x5FFFF  }
0xb2: {  	[dreg:$0x1] =	wrdreg $0xFFFFFFFF  }
0xb3: {  	[dreg:$0x0] =	wrdreg $0x60  }
0xb4: {  	[dreg:$0x2] =	wrdreg s16  }
0xb5: {  	[dreg:$0x3] =	wrdreg s17  }
0xb6: {  	[dreg:$0x4] =	wrdreg s18  }
0xb7: {  	[dreg:$0x5] =	wrdreg $0x9  }
0xb8: {  	_ =	task.clear_ibuf [dreg:s9], $0x6FFFF;
	_ =	strace $0x90000046  }
0xb9: {  	s29 =	simm.s32 $0x9;
	_ =	strace $0x80000048  }
0xba: {  	_ =	swait.ge [sflag:s29], $0x1  }
0xbb: {  	[sflag:s29] =	ssyncadd.s32 $0xFFFFFFFF  }
0xbc: {  	_ =	strace $0x90000048  }
0xbd: {  	_ =	sfence  }
0xbe: {  	s30 =	sld [smem:$0x0];
	_ =	sdelay $0x2  }
0xbf: {  	s31 =	sshll.u32 s1, $0xD;
	s1 =	sshrl.u32 s1, $0x2  }
0xc0: {  	s3 =	sand.u32 $0x4000, s31;
	s1 =	sadd.s32 s1, s30  }
0xc1: {  	s0 =	sor.u32 s3, s0;
	s1 =	sshll.u32 s1, $0x11  }
0xc2: {  	s0 =	sor.u32 s1, s0  }
0xc3: {  	s0 =	sadd.s32 $0x8F2B, s0  }
0xc4: {  	[sflag:s0] =	ssyncadd.remote.s32 $0x1  }
0xc5: {  	_ =	sfence.sel $0xFFFF  }
0xc6: {  	[dreg:$0x0] =	wrdreg $0xFFFFFFFF;
	(pc) =	sbr.abs _section_cstart, $3  }
0xc7: {  	[dreg:$0x1] =	wrdreg $0xFFFFFFFF  }
0xc8: {  	_ =	task.clear_ibuf [dreg:s9], $0x2FFFF;
	_ =	strace $0x9FFFFFFF  }
0xc9: {  	(tm) =	ssettm $0x7FFFFFFF  }
tec
execute0_lowered:
.L_overlay_start_1:
0x0: {  	(tag) =	ssettag $0x1  }
0x1: {  	s1 =	rddreg [dreg:$0x0]  }
0x2: {  	s2 =	srdreg.scid;
	s4 =	rddreg [dreg:$0x1]  }
0x3: {  	s0 =	stileid.u32;
	s9 =	rddreg [dreg:$0x2];
	s6 =	sand.u32 $0x1, s2  }
0x4: {  	s3 =	simm.s32 $0x0;
	s5 =	sshll.u32 s0, $0x7;
	s7 =	sshll.u32 s6, $0x6  }
0x5: {  	[smem:$0x7FF] =	sst s3;
	s10 =	sor.u32 s7, s5  }
0x6: {  	s2 =	rddreg [dreg:$0x3];
	_ =	strace $0x80000047;
	s5 =	sshrl.u32 s10, $0x3  }
0x7: {  	s11 =	ssub.s32 $0x2, s6;
	s5 =	sadd.s32 s4, s5;
	s4 =	simm.s32 $0x2  }
0x8: {  	[tilespmem:s3], [sflag:$0x2] =	stream.linear.gather [hbm4b:s5+s3], $0x40, $0x38;
	[tilespmem:$0x2080] =	vst v63  }
0x9: {  	s8 =	simm.s32 $0x1;
	s12 =	sshrl.u32 s11, $0x1;
	_ =	swait.ge [sflag:s4], $0x40  }
0xa: {  	s6 =	simm.s32 $0x40;
	s11 =	ssub.s32 s11, s12;
	[sflag:s4] =	ssyncset.done $0x0  }
0xb: {  	s7 =	simm.s32 $0x80;
	s31 =	smax.u32 s11, $0x1;
	[sflag:s4] =	ssyncadd.s32 $0xFFFFFFC0  }
0xc: {  	[tilespmem:s7], [sflag:$0x1] =	stream.indirect.gather [hbm4b:s1+s6], $0x80, s3, s6, $0xb8;
	[tilespmem:$0x2080] =	vst v63  }
0xd: {  	p0 =	sne.s32 s31, $0x1;
	_ =	swait.ge [sflag:s8], $0x2000  }
.Ltmp0:
0xe: {  	s10 =	sshll.u32 s10, $0x4;
	[sflag:s8] =	ssyncset.done $0x0;
	(pc) =	sbr.rel @!p0 .LBB2_2-.Ltmp0, $4  }
0xf: {  	s9 =	sadd.s32 s9, s10;
	[sflag:s8] =	ssyncadd.s32 $0xFFFFE000  }
0x10: {  	[hbm4b:s9+s3] =	stream.linear.scatter [tilespmem:s7], [sflag:$0x2], $0x2000, $0x38;
	[tilespmem:$0x2080] =	vst v63  }
0x11: {  	_ =	swait.ge [sflag:s4], $0x2000  }
0x12: {  	s10 =	sadd.s32 $0xFFFFFFFF, s31;
	[sflag:s4] =	ssyncset.done $0x0  }
.LBB2_1:
0x13: {  	p0 =	sne.s32 s10, $0x1;
	s10 =	sadd.s32 $0xFFFFFFFF, s10;
	[sflag:s4] =	ssyncadd.s32 $0xFFFFE000  }
0x14: {  	[tilespmem:s3], [sflag:$0x2] =	stream.linear.gather [hbm4b:s5+s3], $0x40, $0x38;
	[tilespmem:$0x2080] =	vst v63  }
0x15: {  	_ =	swait.ge [sflag:s4], $0x40  }
0x16: {  	[sflag:s4] =	ssyncset.done $0x0  }
0x17: {  	[sflag:s4] =	ssyncadd.s32 $0xFFFFFFC0  }
0x18: {  	[tilespmem:s7], [sflag:$0x1] =	stream.indirect.gather [hbm4b:s1+s6], $0x80, s3, s6, $0xb8;
	[tilespmem:$0x2080] =	vst v63  }
0x19: {  	_ =	swait.ge [sflag:s8], $0x2000  }
.Ltmp1:
0x1a: {  	[sflag:s8] =	ssyncset.done $0x0;
	(pc) =	sbr.rel @p0 .LBB2_1-.Ltmp1, $4  }
0x1b: {  	[sflag:s8] =	ssyncadd.s32 $0xFFFFE000  }
0x1c: {  	[hbm4b:s9+s3] =	stream.linear.scatter [tilespmem:s7], [sflag:$0x2], $0x2000, $0x38;
	[tilespmem:$0x2080] =	vst v63  }
0x1d: {  	_ =	swait.ge [sflag:s4], $0x2000  }
0x1e: {  	[sflag:s4] =	ssyncset.done $0x0  }
.LBB2_2:
0x1f: {  	[sflag:s4] =	ssyncadd.s32 $0xFFFFE000  }
0x20: {  	_ =	sfence.sel $0x180000  }
0x21: {  	[bflag:$0x0] =	sbarrier.arrive $0xFFFF  }
0x22: {  	p0 =	sne.s32 s0, $0x0;
	_ =	strace $0x90000047  }
0x23: {  	s0 =	sadd.s32 @!p0 $0x100000, s2;
	[bflag:$0x2] =	sbarrier.arrive $0xFFFF  }
0x24: {  	[sflag:s0] =	ssyncadd.tile.s32 @!p0 $0x1;
	_ =	shalt  }
.Lfunc_end2:
_tile_overlayer_lowered:
.L_overlay_start_2:
0x25: {  	(tag) =	ssettag $0x2  }
0x26: {  	s0 =	rddreg [dreg:$0x0];
	s2 =	stileid.u32  }
0x27: {  	s1 =	rddreg [dreg:$0x1];
	p0 =	sne.s32 s2, $0x0  }
0x28: {  	s3 =	rddreg [dreg:$0x2];
	[bflag:$0x3] =	sbarrier.arrive $0xFFFF;
	s2 =	simm.s32 @!p0 $0x1C02  }
0x29: {  	[timem:s3], [sflag:s2] =	dma.local @!p0 [hbm:s0], s1  }
0x2a: {  	s0 =	simm.s32 @!p0 $0x2  }
0x2b: {  	_ =	swait.ge @!p0 [sflag:s0], s1  }
0x2c: {  	s1 =	ssub.s32 @!p0 $0x0, s1;
	[sflag:s0] =	ssyncset.done @!p0 $0x0  }
0x2d: {  	[sflag:s0] =	ssyncadd.s32 @!p0 s1  }
0x2e: {  	[bflag:$0x3] =	sbarrier.arrive $0xFFFF  }
0x2f: {  	_ =	shalt  }

</sc_bundles>
